<compile_context>
chip_gen: v7x
topology: tpu7x:2x2x1
jax: 0.10.2.dev20260603
libtpu: 0.0.44.dev20260713+nightly
codegen_flags: <defaults>
</compile_context>

<pallas_src>
import functools

import jax
import jax.numpy as jnp
from jax import lax
from jax.experimental import pallas as pl
from jax.experimental.pallas import tpu as pltpu
from jax.experimental.pallas import tpu_sc as plsc

_TP = 256
_NC = 2
_NS = 16
_NW = _NC * _NS
_RC = 8


def _cnt_body(n_pass, a_ref, o_ref):
    a = a_ref[0]
    F = a.shape[0]
    iota = lax.broadcasted_iota(jnp.int32, a.shape, 0)
    work = a
    cnt = jnp.zeros(a.shape, jnp.int32)
    for j in range(n_pass):
        m = jnp.max(work, axis=0, keepdims=True)
        cnt = cnt + (a < m).astype(jnp.int32)
        if j < n_pass - 1:
            kidx = jnp.min(jnp.where(work < m, F, iota), axis=0, keepdims=True)
            work = jnp.where(iota == kidx, -jnp.inf, work)
    o_ref[0] = cnt


def _rank_counts(a3, n_pass):
    B, F, P = a3.shape
    tp = min(_TP, P)
    return pl.pallas_call(
        functools.partial(_cnt_body, n_pass),
        grid=(B, P // tp),
        in_specs=[pl.BlockSpec((1, F, tp), lambda b, p: (b, 0, p))],
        out_specs=pl.BlockSpec((1, F, tp), lambda b, p: (b, 0, p)),
        out_shape=jax.ShapeDtypeStruct((B, F, P), jnp.int32),
    )(a3)


def _sc_gather(cnt2, wext, F, n_ext):
    R, P = cnt2.shape
    rows_per_w = R // _NW
    n_chunks = rows_per_w // _RC
    nv = P // 16
    mesh = plsc.VectorSubcoreMesh(core_axis_name="c", subcore_axis_name="s")

    @functools.partial(
        pl.kernel,
        out_type=jax.ShapeDtypeStruct((R, P), jnp.float32),
        mesh=mesh,
        compiler_params=pltpu.CompilerParams(needs_layout_passes=False),
        scratch_types=[
            pltpu.VMEM((F * n_ext,), jnp.float32),
            pltpu.VMEM((_RC, P), jnp.int32),
            pltpu.VMEM((_RC, P), jnp.float32),
        ],
    )
    def sck(cnt_hbm, wext_hbm, out_hbm, w_v, c_v, o_v):
        wid = lax.axis_index("s") * _NC + lax.axis_index("c")
        pltpu.sync_copy(wext_hbm, w_v)
        base_row = wid * rows_per_w

        def chunk_body(ci, _):
            r0 = base_row + ci * _RC
            pltpu.sync_copy(cnt_hbm.at[pl.ds(r0, _RC)], c_v)

            def row_body(r, _):
                fbase = ((r0 + r) % F) * n_ext

                def vec_body(v, _):
                    c = c_v[r, pl.ds(v * 16, 16)]
                    w = plsc.load_gather(w_v, [c + fbase])
                    o_v[r, pl.ds(v * 16, 16)] = w
                    return _

                return lax.fori_loop(0, nv, vec_body, _)

            lax.fori_loop(0, _RC, row_body, 0)
            pltpu.sync_copy(o_v, out_hbm.at[pl.ds(r0, _RC)])
            return _

        lax.fori_loop(0, n_chunks, chunk_body, 0)

    return sck(cnt2, wext)


def kernel(activations, rank_weights):
    B, F, H, W = activations.shape
    n_pass = rank_weights.shape[1]
    P = H * W
    a3 = activations.reshape(B, F, P)
    cnt = _rank_counts(a3, n_pass)
    n_ext = n_pass + 1
    wext = jnp.concatenate(
        [rank_weights, jnp.zeros((F, 1), jnp.float32)], axis=1
    ).reshape(-1)
    out = _sc_gather(cnt.reshape(B * F, P), wext, F, n_ext)
    return out.reshape(B, F, H, W)

# --- scband reference (transcript-rebuilt; emitter-appended) ---
"""Pipeline reference for scband-learned-rank-encoding-16819091931482 (READ-ONLY COPY).

The authoritative reference and input builder live on the scoring server;
editing this copy changes nothing except your own understanding.
"""

import jax, jax.numpy as jnp
import numpy as np


def get_ranks(activations):
    # torch.argsort(x, dim=1, descending=True) followed by argsort of indices
    sorted_indices = jnp.argsort(-activations, axis=1)
    ranks = jnp.argsort(sorted_indices, axis=1)
    return ranks


def setup_inputs(seed: int = 0) -> dict:
    key = jax.random.key(seed)
    k1, = jax.random.split(key, 1)
    activations = jax.random.normal(k1, (8, 768, 32, 32), dtype=jnp.float32)
    # learned parameter: rank_weights initialized to ones, shape (num_filters, n_pass)
    rank_weights = jnp.ones((768, 32), dtype=jnp.float32)
    return {"activations": activations, "rank_weights": rank_weights}


def reference(activations, rank_weights):
    batch, num_filters, H, W = activations.shape
    n_pass = rank_weights.shape[1]
    ranks = get_ranks(activations)
    encoded = jnp.zeros_like(activations)
    for r in range(n_pass):
        mask = (ranks == r)
        weights = rank_weights[:, r].reshape(1, num_filters, 1, 1)
        encoded = encoded + mask.astype(activations.dtype) * weights
    return encoded

if __name__ == "__main__":
    import jax
    _d = setup_inputs()
    print(jax.jit(kernel)(*tuple(_d.values())))

</pallas_src>

<mosaic_0001>
#map = affine_map<(d0, d1) -> (0, 0)>
#map1 = affine_map<(d0, d1) -> (0)>
module attributes {stable_mosaic.version = 14 : i64} {
  func.func @sck(%arg0: i32, %arg1: i32, %arg2: memref<6144x1024xi32, #tpu.memory_space<hbm>>, %arg3: memref<25344xf32, #tpu.memory_space<hbm>>, %arg4: memref<6144x1024xf32, #tpu.memory_space<hbm>>, %arg5: memref<25344xf32, #tpu.memory_space<vmem>>, %arg6: memref<8x1024xi32, #tpu.memory_space<vmem>>, %arg7: memref<8x1024xf32, #tpu.memory_space<vmem>>) attributes {dimension_semantics = [#tpu.dimension_semantics<core_parallel>, #tpu.dimension_semantics<subcore_parallel>], iteration_bounds = array<i64: 2, 16>, scalar_prefetch = 0 : i64, scratch_operands = 3 : i64, tpu.core_type = #tpu.core_type<sc_vector_subcore>, window_params = [{transform_indices = #map}, {transform_indices = #map1}, {transform_indices = #map}]} {
    %mul3A = arith.constant 2 : i32
    %mul3A_0 = arith.muli %arg1, %mul3A : i32
    %add3A = arith.addi %mul3A_0, %arg0 : i32
    "tpu.region"() ({
      %run_scoped3A = tpu.sem_alloc : memref<!tpu.dma_semaphore, #tpu.memory_space<semaphore_mem>>
      tpu.enqueue_dma source(%arg3 : memref<25344xf32, #tpu.memory_space<hbm>>) target(%arg5 : memref<25344xf32, #tpu.memory_space<vmem>>) target_semaphore(%run_scoped3A : memref<!tpu.dma_semaphore, #tpu.memory_space<semaphore_mem>>)
      tpu.wait_dma2 semaphore(%run_scoped3A : memref<!tpu.dma_semaphore, #tpu.memory_space<semaphore_mem>>) src(%arg3 : memref<25344xf32, #tpu.memory_space<hbm>>) dst(%arg5 : memref<25344xf32, #tpu.memory_space<vmem>>)
      tpu.yield
    }) : () -> ()
    %mul3A_1 = arith.constant 192 : i32
    %mul3A_2 = arith.muli %add3A, %mul3A_1 : i32
    %scan3A = arith.constant 0 : i32
    %scan3A_3 = arith.constant 0 : i32
    %scan3A_4 = arith.constant 24 : i32
    %scan3A_5 = arith.addi %scan3A_3, %scan3A_4 : i32
    %scan3A_6 = arith.constant 1 : i32
    scf.for %scan3A_8 = %scan3A_3 to %scan3A_5 step %scan3A_6  : i32 {
      %mul3A_9 = arith.constant 8 : i32
      %mul3A_10 = arith.muli %scan3A_8, %mul3A_9 : i32
      %add3A_11 = arith.addi %mul3A_2, %mul3A_10 : i32
      "tpu.region"() ({
        %run_scoped3A = tpu.sem_alloc : memref<!tpu.dma_semaphore, #tpu.memory_space<semaphore_mem>>
        %dma_start3A = arith.constant 0 : i32
        %dma_start3A_18 = tpu.memref_slice %arg2[%add3A_11, %dma_start3A] : memref<6144x1024xi32, #tpu.memory_space<hbm>> -> memref<8x1024xi32, #tpu.memory_space<hbm>>
        %dma_start3A_19 = arith.constant 0 : i32
        %dma_start3A_20 = tpu.memref_slice %arg2[%add3A_11, %dma_start3A_19] : memref<6144x1024xi32, #tpu.memory_space<hbm>> -> memref<8x1024xi32, #tpu.memory_space<hbm>>
        tpu.enqueue_dma source(%dma_start3A_20 : memref<8x1024xi32, #tpu.memory_space<hbm>>) target(%arg6 : memref<8x1024xi32, #tpu.memory_space<vmem>>) target_semaphore(%run_scoped3A : memref<!tpu.dma_semaphore, #tpu.memory_space<semaphore_mem>>)
        %dma_wait3A = arith.constant 0 : i32
        %dma_wait3A_21 = tpu.memref_slice %arg2[%add3A_11, %dma_wait3A] : memref<6144x1024xi32, #tpu.memory_space<hbm>> -> memref<8x1024xi32, #tpu.memory_space<hbm>>
        %dma_wait3A_22 = arith.constant 0 : i32
        %dma_wait3A_23 = tpu.memref_slice %arg2[%add3A_11, %dma_wait3A_22] : memref<6144x1024xi32, #tpu.memory_space<hbm>> -> memref<8x1024xi32, #tpu.memory_space<hbm>>
        tpu.wait_dma2 semaphore(%run_scoped3A : memref<!tpu.dma_semaphore, #tpu.memory_space<semaphore_mem>>) src(%dma_wait3A_23 : memref<8x1024xi32, #tpu.memory_space<hbm>>) dst(%arg6 : memref<8x1024xi32, #tpu.memory_space<vmem>>)
        tpu.yield
      }) : () -> ()
      %scan3A_12 = arith.constant 0 : i32
      %scan3A_13 = arith.constant 0 : i32
      %scan3A_14 = arith.constant 8 : i32
      %scan3A_15 = arith.addi %scan3A_13, %scan3A_14 : i32
      %scan3A_16 = arith.constant 1 : i32
      scf.for %scan3A_18 = %scan3A_13 to %scan3A_15 step %scan3A_16  : i32 {
        %add3A_19 = arith.addi %add3A_11, %scan3A_18 : i32
        %jit3A = arith.constant 768 : i32
        %eq3A = arith.constant 0 : i32
        %eq3A_20 = arith.cmpi eq, %jit3A, %eq3A : i32
        %jit3A_21 = arith.constant 1 : i32
        %select_n3A = arith.select %eq3A_20, %jit3A_21, %jit3A : i32
        %rem3A = arith.remsi %add3A_19, %select_n3A : i32
        %ne3A = arith.constant 0 : i32
        %ne3A_22 = arith.cmpi ne, %rem3A, %ne3A : i32
        %lt3A = arith.constant 0 : i32
        %lt3A_23 = arith.cmpi slt, %rem3A, %lt3A : i32
        %lt3A_24 = arith.constant 0 : i32
        %lt3A_25 = arith.cmpi slt, %select_n3A, %lt3A_24 : i32
        %ne3A_26 = arith.xori %lt3A_23, %lt3A_25 : i1
        %and3A = arith.andi %ne3A_26, %ne3A_22 : i1
        %add3A_27 = arith.addi %rem3A, %select_n3A : i32
        %select_n3A_28 = arith.select %and3A, %add3A_27, %rem3A : i32
        %mul3A_29 = arith.constant 33 : i32
        %mul3A_30 = arith.muli %select_n3A_28, %mul3A_29 : i32
        %scan3A_31 = arith.constant 0 : i32
        %scan3A_32 = arith.constant 64 : i32
        %scan3A_33 = arith.addi %scan3A_31, %scan3A_32 : i32
        %scan3A_34 = arith.constant 1 : i32
        scf.for %scan3A_36 = %scan3A_31 to %scan3A_33 step %scan3A_34  : i32 {
          %mul3A_37 = arith.constant 16 : i32
          %mul3A_38 = arith.muli %scan3A_36, %mul3A_37 : i32
          %get3A = arith.index_cast %scan3A_18 : i32 to index
          %get3A_39 = arith.index_cast %mul3A_38 : i32 to index
          %get3A_40 = tpu.vector_load %arg6[%get3A, %get3A_39] {strides = array<i32>} : memref<8x1024xi32, #tpu.memory_space<vmem>>, vector<16xi32>,
          %add3A_41 = vector.broadcast %mul3A_30 : i32 to vector<16xi32>
          %add3A_42 = arith.addi %get3A_40, %add3A_41 : vector<16xi32>
          %gather3A = tpu.vector_load_idx %arg5[%add3A_42] : memref<25344xf32, #tpu.memory_space<vmem>>[vector<16xi32>], vector<16xf32>,
          %mul3A_43 = arith.constant 16 : i32
          %mul3A_44 = arith.muli %scan3A_36, %mul3A_43 : i32
          %swap3A = arith.index_cast %scan3A_18 : i32 to index
          %swap3A_45 = arith.index_cast %mul3A_44 : i32 to index
          %swap3A_46 = tpu.vector_load %arg7[%swap3A, %swap3A_45] {strides = array<i32>} : memref<8x1024xf32, #tpu.memory_space<vmem>>, vector<16xf32>,
          tpu.vector_store %arg7[%swap3A, %swap3A_45], %gather3A {strides = array<i32>} : memref<8x1024xf32, #tpu.memory_space<vmem>>, vector<16xf32>,
        }
        %scan3A_35 = arith.constant 64 : i32
      }
      %scan3A_17 = arith.constant 8 : i32
      "tpu.region"() ({
        %run_scoped3A = tpu.sem_alloc : memref<!tpu.dma_semaphore, #tpu.memory_space<semaphore_mem>>
        %dma_start3A = arith.constant 0 : i32
        %dma_start3A_18 = tpu.memref_slice %arg4[%add3A_11, %dma_start3A] : memref<6144x1024xf32, #tpu.memory_space<hbm>> -> memref<8x1024xf32, #tpu.memory_space<hbm>>
        %dma_start3A_19 = arith.constant 0 : i32
        %dma_start3A_20 = tpu.memref_slice %arg4[%add3A_11, %dma_start3A_19] : memref<6144x1024xf32, #tpu.memory_space<hbm>> -> memref<8x1024xf32, #tpu.memory_space<hbm>>
        tpu.enqueue_dma source(%arg7 : memref<8x1024xf32, #tpu.memory_space<vmem>>) target(%dma_start3A_20 : memref<8x1024xf32, #tpu.memory_space<hbm>>) target_semaphore(%run_scoped3A : memref<!tpu.dma_semaphore, #tpu.memory_space<semaphore_mem>>)
        %dma_wait3A = arith.constant 0 : i32
        %dma_wait3A_21 = tpu.memref_slice %arg4[%add3A_11, %dma_wait3A] : memref<6144x1024xf32, #tpu.memory_space<hbm>> -> memref<8x1024xf32, #tpu.memory_space<hbm>>
        %dma_wait3A_22 = arith.constant 0 : i32
        %dma_wait3A_23 = tpu.memref_slice %arg4[%add3A_11, %dma_wait3A_22] : memref<6144x1024xf32, #tpu.memory_space<hbm>> -> memref<8x1024xf32, #tpu.memory_space<hbm>>
        tpu.wait_dma2 semaphore(%run_scoped3A : memref<!tpu.dma_semaphore, #tpu.memory_space<semaphore_mem>>) src(%arg7 : memref<8x1024xf32, #tpu.memory_space<vmem>>) dst(%dma_wait3A_23 : memref<8x1024xf32, #tpu.memory_space<hbm>>)
        tpu.yield
      }) : () -> ()
    }
    %scan3A_7 = arith.constant 24 : i32
    return
  }
}

module attributes {stable_mosaic.version = 14 : i64} {
  func.func @_cnt_body(%arg0: i32, %arg1: i32, %arg2: memref<1x768x256xf32, #tpu.memory_space<vmem>>, %arg3: memref<1x768x256xi32, #tpu.memory_space<vmem>>) attributes {dimension_semantics = [#tpu.dimension_semantics<arbitrary>, #tpu.dimension_semantics<arbitrary>], iteration_bounds = array<i64: 8, 4>, scalar_prefetch = 0 : i64, scratch_operands = 0 : i64, tpu.core_type = #tpu.core_type<tc>, window_params = [{transform_indices = @transform_0, window_bounds = array<i64: 1, 768, 256>}, {transform_indices = @transform_1, window_bounds = array<i64: 1, 768, 256>}]} {
    %get3A = arith.constant 0 : index
    %get3A_0 = arith.constant 0 : index
    %get3A_1 = arith.constant 0 : index
    %get3A_2 = vector.load %arg2[%get3A, %get3A_0, %get3A_1] : memref<1x768x256xf32, #tpu.memory_space<vmem>>, vector<1x768x256xf32>
    %get3A_3 = vector.shape_cast %get3A_2 : vector<1x768x256xf32> to vector<768x256xf32>
    %iota3A = tpu.iota {dimensions = array<i32: 0>} : vector<768x256xi32>
    %broadcast_in_dim3A = arith.constant 0 : i32
    %broadcast_in_dim3A_4 = vector.broadcast %broadcast_in_dim3A : i32 to vector<768x256xi32>
    %reduce_max3A = arith.constant dense<0xFF800000> : vector<256xf32>
    %reduce_max3A_5 = vector.multi_reduction <maximumf>, %get3A_3, %reduce_max3A [0] : vector<768x256xf32> to vector<256xf32>
    %broadcast_in_dim3A_6 = vector.shape_cast %reduce_max3A_5 : vector<256xf32> to vector<1x256xf32>
    %lt3A = vector.broadcast %broadcast_in_dim3A_6 : vector<1x256xf32> to vector<768x256xf32>
    %lt3A_7 = arith.cmpf olt, %get3A_3, %lt3A : vector<768x256xf32>
    %convert_element_type3A = arith.extui %lt3A_7 : vector<768x256xi1> to vector<768x256xi32>
    %add3A = arith.addi %broadcast_in_dim3A_4, %convert_element_type3A : vector<768x256xi32>
    %lt3A_8 = vector.broadcast %broadcast_in_dim3A_6 : vector<1x256xf32> to vector<768x256xf32>
    %lt3A_9 = arith.cmpf olt, %get3A_3, %lt3A_8 : vector<768x256xf32>
    %jit3A = arith.constant 768 : i32
    %broadcast_in_dim3A_10 = vector.broadcast %jit3A : i32 to vector<768x256xi32>
    %select_n3A = arith.select %lt3A_9, %broadcast_in_dim3A_10, %iota3A : vector<768x256xi1>, vector<768x256xi32>
    %reduce_min3A = arith.constant dense<2147483647> : vector<256xi32>
    %reduce_min3A_11 = vector.multi_reduction <minsi>, %select_n3A, %reduce_min3A [0] : vector<768x256xi32> to vector<256xi32>
    %broadcast_in_dim3A_12 = vector.shape_cast %reduce_min3A_11 : vector<256xi32> to vector<1x256xi32>
    %eq3A = vector.broadcast %broadcast_in_dim3A_12 : vector<1x256xi32> to vector<768x256xi32>
    %eq3A_13 = arith.cmpi eq, %iota3A, %eq3A : vector<768x256xi32>
    %jit3A_14 = arith.constant 0xFF800000 : f32
    %broadcast_in_dim3A_15 = vector.broadcast %jit3A_14 : f32 to vector<768x256xf32>
    %select_n3A_16 = arith.select %eq3A_13, %broadcast_in_dim3A_15, %get3A_3 : vector<768x256xi1>, vector<768x256xf32>
    %reduce_max3A_17 = arith.constant dense<0xFF800000> : vector<256xf32>
    %reduce_max3A_18 = vector.multi_reduction <maximumf>, %select_n3A_16, %reduce_max3A_17 [0] : vector<768x256xf32> to vector<256xf32>
    %broadcast_in_dim3A_19 = vector.shape_cast %reduce_max3A_18 : vector<256xf32> to vector<1x256xf32>
    %lt3A_20 = vector.broadcast %broadcast_in_dim3A_19 : vector<1x256xf32> to vector<768x256xf32>
    %lt3A_21 = arith.cmpf olt, %get3A_3, %lt3A_20 : vector<768x256xf32>
    %convert_element_type3A_22 = arith.extui %lt3A_21 : vector<768x256xi1> to vector<768x256xi32>
    %add3A_23 = arith.addi %add3A, %convert_element_type3A_22 : vector<768x256xi32>
    %lt3A_24 = vector.broadcast %broadcast_in_dim3A_19 : vector<1x256xf32> to vector<768x256xf32>
    %lt3A_25 = arith.cmpf olt, %select_n3A_16, %lt3A_24 : vector<768x256xf32>
    %jit3A_26 = arith.constant 768 : i32
    %broadcast_in_dim3A_27 = vector.broadcast %jit3A_26 : i32 to vector<768x256xi32>
    %select_n3A_28 = arith.select %lt3A_25, %broadcast_in_dim3A_27, %iota3A : vector<768x256xi1>, vector<768x256xi32>
    %reduce_min3A_29 = arith.constant dense<2147483647> : vector<256xi32>
    %reduce_min3A_30 = vector.multi_reduction <minsi>, %select_n3A_28, %reduce_min3A_29 [0] : vector<768x256xi32> to vector<256xi32>
    %broadcast_in_dim3A_31 = vector.shape_cast %reduce_min3A_30 : vector<256xi32> to vector<1x256xi32>
    %eq3A_32 = vector.broadcast %broadcast_in_dim3A_31 : vector<1x256xi32> to vector<768x256xi32>
    %eq3A_33 = arith.cmpi eq, %iota3A, %eq3A_32 : vector<768x256xi32>
    %jit3A_34 = arith.constant 0xFF800000 : f32
    %broadcast_in_dim3A_35 = vector.broadcast %jit3A_34 : f32 to vector<768x256xf32>
    %select_n3A_36 = arith.select %eq3A_33, %broadcast_in_dim3A_35, %select_n3A_16 : vector<768x256xi1>, vector<768x256xf32>
    %reduce_max3A_37 = arith.constant dense<0xFF800000> : vector<256xf32>
    %reduce_max3A_38 = vector.multi_reduction <maximumf>, %select_n3A_36, %reduce_max3A_37 [0] : vector<768x256xf32> to vector<256xf32>
    %broadcast_in_dim3A_39 = vector.shape_cast %reduce_max3A_38 : vector<256xf32> to vector<1x256xf32>
    %lt3A_40 = vector.broadcast %broadcast_in_dim3A_39 : vector<1x256xf32> to vector<768x256xf32>
    %lt3A_41 = arith.cmpf olt, %get3A_3, %lt3A_40 : vector<768x256xf32>
    %convert_element_type3A_42 = arith.extui %lt3A_41 : vector<768x256xi1> to vector<768x256xi32>
    %add3A_43 = arith.addi %add3A_23, %convert_element_type3A_42 : vector<768x256xi32>
    %lt3A_44 = vector.broadcast %broadcast_in_dim3A_39 : vector<1x256xf32> to vector<768x256xf32>
    %lt3A_45 = arith.cmpf olt, %select_n3A_36, %lt3A_44 : vector<768x256xf32>
    %jit3A_46 = arith.constant 768 : i32
    %broadcast_in_dim3A_47 = vector.broadcast %jit3A_46 : i32 to vector<768x256xi32>
    %select_n3A_48 = arith.select %lt3A_45, %broadcast_in_dim3A_47, %iota3A : vector<768x256xi1>, vector<768x256xi32>
    %reduce_min3A_49 = arith.constant dense<2147483647> : vector<256xi32>
    %reduce_min3A_50 = vector.multi_reduction <minsi>, %select_n3A_48, %reduce_min3A_49 [0] : vector<768x256xi32> to vector<256xi32>
    %broadcast_in_dim3A_51 = vector.shape_cast %reduce_min3A_50 : vector<256xi32> to vector<1x256xi32>
    %eq3A_52 = vector.broadcast %broadcast_in_dim3A_51 : vector<1x256xi32> to vector<768x256xi32>
    %eq3A_53 = arith.cmpi eq, %iota3A, %eq3A_52 : vector<768x256xi32>
    %jit3A_54 = arith.constant 0xFF800000 : f32
    %broadcast_in_dim3A_55 = vector.broadcast %jit3A_54 : f32 to vector<768x256xf32>
    %select_n3A_56 = arith.select %eq3A_53, %broadcast_in_dim3A_55, %select_n3A_36 : vector<768x256xi1>, vector<768x256xf32>
    %reduce_max3A_57 = arith.constant dense<0xFF800000> : vector<256xf32>
    %reduce_max3A_58 = vector.multi_reduction <maximumf>, %select_n3A_56, %reduce_max3A_57 [0] : vector<768x256xf32> to vector<256xf32>
    %broadcast_in_dim3A_59 = vector.shape_cast %reduce_max3A_58 : vector<256xf32> to vector<1x256xf32>
    %lt3A_60 = vector.broadcast %broadcast_in_dim3A_59 : vector<1x256xf32> to vector<768x256xf32>
    %lt3A_61 = arith.cmpf olt, %get3A_3, %lt3A_60 : vector<768x256xf32>
    %convert_element_type3A_62 = arith.extui %lt3A_61 : vector<768x256xi1> to vector<768x256xi32>
    %add3A_63 = arith.addi %add3A_43, %convert_element_type3A_62 : vector<768x256xi32>
    %lt3A_64 = vector.broadcast %broadcast_in_dim3A_59 : vector<1x256xf32> to vector<768x256xf32>
    %lt3A_65 = arith.cmpf olt, %select_n3A_56, %lt3A_64 : vector<768x256xf32>
    %jit3A_66 = arith.constant 768 : i32
    %broadcast_in_dim3A_67 = vector.broadcast %jit3A_66 : i32 to vector<768x256xi32>
    %select_n3A_68 = arith.select %lt3A_65, %broadcast_in_dim3A_67, %iota3A : vector<768x256xi1>, vector<768x256xi32>
    %reduce_min3A_69 = arith.constant dense<2147483647> : vector<256xi32>
    %reduce_min3A_70 = vector.multi_reduction <minsi>, %select_n3A_68, %reduce_min3A_69 [0] : vector<768x256xi32> to vector<256xi32>
    %broadcast_in_dim3A_71 = vector.shape_cast %reduce_min3A_70 : vector<256xi32> to vector<1x256xi32>
    %eq3A_72 = vector.broadcast %broadcast_in_dim3A_71 : vector<1x256xi32> to vector<768x256xi32>
    %eq3A_73 = arith.cmpi eq, %iota3A, %eq3A_72 : vector<768x256xi32>
    %jit3A_74 = arith.constant 0xFF800000 : f32
    %broadcast_in_dim3A_75 = vector.broadcast %jit3A_74 : f32 to vector<768x256xf32>
    %select_n3A_76 = arith.select %eq3A_73, %broadcast_in_dim3A_75, %select_n3A_56 : vector<768x256xi1>, vector<768x256xf32>
    %reduce_max3A_77 = arith.constant dense<0xFF800000> : vector<256xf32>
    %reduce_max3A_78 = vector.multi_reduction <maximumf>, %select_n3A_76, %reduce_max3A_77 [0] : vector<768x256xf32> to vector<256xf32>
    %broadcast_in_dim3A_79 = vector.shape_cast %reduce_max3A_78 : vector<256xf32> to vector<1x256xf32>
    %lt3A_80 = vector.broadcast %broadcast_in_dim3A_79 : vector<1x256xf32> to vector<768x256xf32>
    %lt3A_81 = arith.cmpf olt, %get3A_3, %lt3A_80 : vector<768x256xf32>
    %convert_element_type3A_82 = arith.extui %lt3A_81 : vector<768x256xi1> to vector<768x256xi32>
    %add3A_83 = arith.addi %add3A_63, %convert_element_type3A_82 : vector<768x256xi32>
    %lt3A_84 = vector.broadcast %broadcast_in_dim3A_79 : vector<1x256xf32> to vector<768x256xf32>
    %lt3A_85 = arith.cmpf olt, %select_n3A_76, %lt3A_84 : vector<768x256xf32>
    %jit3A_86 = arith.constant 768 : i32
    %broadcast_in_dim3A_87 = vector.broadcast %jit3A_86 : i32 to vector<768x256xi32>
    %select_n3A_88 = arith.select %lt3A_85, %broadcast_in_dim3A_87, %iota3A : vector<768x256xi1>, vector<768x256xi32>
    %reduce_min3A_89 = arith.constant dense<2147483647> : vector<256xi32>
    %reduce_min3A_90 = vector.multi_reduction <minsi>, %select_n3A_88, %reduce_min3A_89 [0] : vector<768x256xi32> to vector<256xi32>
    %broadcast_in_dim3A_91 = vector.shape_cast %reduce_min3A_90 : vector<256xi32> to vector<1x256xi32>
    %eq3A_92 = vector.broadcast %broadcast_in_dim3A_91 : vector<1x256xi32> to vector<768x256xi32>
    %eq3A_93 = arith.cmpi eq, %iota3A, %eq3A_92 : vector<768x256xi32>
    %jit3A_94 = arith.constant 0xFF800000 : f32
    %broadcast_in_dim3A_95 = vector.broadcast %jit3A_94 : f32 to vector<768x256xf32>
    %select_n3A_96 = arith.select %eq3A_93, %broadcast_in_dim3A_95, %select_n3A_76 : vector<768x256xi1>, vector<768x256xf32>
    %reduce_max3A_97 = arith.constant dense<0xFF800000> : vector<256xf32>
    %reduce_max3A_98 = vector.multi_reduction <maximumf>, %select_n3A_96, %reduce_max3A_97 [0] : vector<768x256xf32> to vector<256xf32>
    %broadcast_in_dim3A_99 = vector.shape_cast %reduce_max3A_98 : vector<256xf32> to vector<1x256xf32>
    %lt3A_100 = vector.broadcast %broadcast_in_dim3A_99 : vector<1x256xf32> to vector<768x256xf32>
    %lt3A_101 = arith.cmpf olt, %get3A_3, %lt3A_100 : vector<768x256xf32>
    %convert_element_type3A_102 = arith.extui %lt3A_101 : vector<768x256xi1> to vector<768x256xi32>
    %add3A_103 = arith.addi %add3A_83, %convert_element_type3A_102 : vector<768x256xi32>
    %lt3A_104 = vector.broadcast %broadcast_in_dim3A_99 : vector<1x256xf32> to vector<768x256xf32>
    %lt3A_105 = arith.cmpf olt, %select_n3A_96, %lt3A_104 : vector<768x256xf32>
    %jit3A_106 = arith.constant 768 : i32
    %broadcast_in_dim3A_107 = vector.broadcast %jit3A_106 : i32 to vector<768x256xi32>
    %select_n3A_108 = arith.select %lt3A_105, %broadcast_in_dim3A_107, %iota3A : vector<768x256xi1>, vector<768x256xi32>
    %reduce_min3A_109 = arith.constant dense<2147483647> : vector<256xi32>
    %reduce_min3A_110 = vector.multi_reduction <minsi>, %select_n3A_108, %reduce_min3A_109 [0] : vector<768x256xi32> to vector<256xi32>
    %broadcast_in_dim3A_111 = vector.shape_cast %reduce_min3A_110 : vector<256xi32> to vector<1x256xi32>
    %eq3A_112 = vector.broadcast %broadcast_in_dim3A_111 : vector<1x256xi32> to vector<768x256xi32>
    %eq3A_113 = arith.cmpi eq, %iota3A, %eq3A_112 : vector<768x256xi32>
    %jit3A_114 = arith.constant 0xFF800000 : f32
    %broadcast_in_dim3A_115 = vector.broadcast %jit3A_114 : f32 to vector<768x256xf32>
    %select_n3A_116 = arith.select %eq3A_113, %broadcast_in_dim3A_115, %select_n3A_96 : vector<768x256xi1>, vector<768x256xf32>
    %reduce_max3A_117 = arith.constant dense<0xFF800000> : vector<256xf32>
    %reduce_max3A_118 = vector.multi_reduction <maximumf>, %select_n3A_116, %reduce_max3A_117 [0] : vector<768x256xf32> to vector<256xf32>
    %broadcast_in_dim3A_119 = vector.shape_cast %reduce_max3A_118 : vector<256xf32> to vector<1x256xf32>
    %lt3A_120 = vector.broadcast %broadcast_in_dim3A_119 : vector<1x256xf32> to vector<768x256xf32>
    %lt3A_121 = arith.cmpf olt, %get3A_3, %lt3A_120 : vector<768x256xf32>
    %convert_element_type3A_122 = arith.extui %lt3A_121 : vector<768x256xi1> to vector<768x256xi32>
    %add3A_123 = arith.addi %add3A_103, %convert_element_type3A_122 : vector<768x256xi32>
    %lt3A_124 = vector.broadcast %broadcast_in_dim3A_119 : vector<1x256xf32> to vector<768x256xf32>
    %lt3A_125 = arith.cmpf olt, %select_n3A_116, %lt3A_124 : vector<768x256xf32>
    %jit3A_126 = arith.constant 768 : i32
    %broadcast_in_dim3A_127 = vector.broadcast %jit3A_126 : i32 to vector<768x256xi32>
    %select_n3A_128 = arith.select %lt3A_125, %broadcast_in_dim3A_127, %iota3A : vector<768x256xi1>, vector<768x256xi32>
    %reduce_min3A_129 = arith.constant dense<2147483647> : vector<256xi32>
    %reduce_min3A_130 = vector.multi_reduction <minsi>, %select_n3A_128, %reduce_min3A_129 [0] : vector<768x256xi32> to vector<256xi32>
    %broadcast_in_dim3A_131 = vector.shape_cast %reduce_min3A_130 : vector<256xi32> to vector<1x256xi32>
    %eq3A_132 = vector.broadcast %broadcast_in_dim3A_131 : vector<1x256xi32> to vector<768x256xi32>
    %eq3A_133 = arith.cmpi eq, %iota3A, %eq3A_132 : vector<768x256xi32>
    %jit3A_134 = arith.constant 0xFF800000 : f32
    %broadcast_in_dim3A_135 = vector.broadcast %jit3A_134 : f32 to vector<768x256xf32>
    %select_n3A_136 = arith.select %eq3A_133, %broadcast_in_dim3A_135, %select_n3A_116 : vector<768x256xi1>, vector<768x256xf32>
    %reduce_max3A_137 = arith.constant dense<0xFF800000> : vector<256xf32>
    %reduce_max3A_138 = vector.multi_reduction <maximumf>, %select_n3A_136, %reduce_max3A_137 [0] : vector<768x256xf32> to vector<256xf32>
    %broadcast_in_dim3A_139 = vector.shape_cast %reduce_max3A_138 : vector<256xf32> to vector<1x256xf32>
    %lt3A_140 = vector.broadcast %broadcast_in_dim3A_139 : vector<1x256xf32> to vector<768x256xf32>
    %lt3A_141 = arith.cmpf olt, %get3A_3, %lt3A_140 : vector<768x256xf32>
    %convert_element_type3A_142 = arith.extui %lt3A_141 : vector<768x256xi1> to vector<768x256xi32>
    %add3A_143 = arith.addi %add3A_123, %convert_element_type3A_142 : vector<768x256xi32>
    %lt3A_144 = vector.broadcast %broadcast_in_dim3A_139 : vector<1x256xf32> to vector<768x256xf32>
    %lt3A_145 = arith.cmpf olt, %select_n3A_136, %lt3A_144 : vector<768x256xf32>
    %jit3A_146 = arith.constant 768 : i32
    %broadcast_in_dim3A_147 = vector.broadcast %jit3A_146 : i32 to vector<768x256xi32>
    %select_n3A_148 = arith.select %lt3A_145, %broadcast_in_dim3A_147, %iota3A : vector<768x256xi1>, vector<768x256xi32>
    %reduce_min3A_149 = arith.constant dense<2147483647> : vector<256xi32>
    %reduce_min3A_150 = vector.multi_reduction <minsi>, %select_n3A_148, %reduce_min3A_149 [0] : vector<768x256xi32> to vector<256xi32>
    %broadcast_in_dim3A_151 = vector.shape_cast %reduce_min3A_150 : vector<256xi32> to vector<1x256xi32>
    %eq3A_152 = vector.broadcast %broadcast_in_dim3A_151 : vector<1x256xi32> to vector<768x256xi32>
    %eq3A_153 = arith.cmpi eq, %iota3A, %eq3A_152 : vector<768x256xi32>
    %jit3A_154 = arith.constant 0xFF800000 : f32
    %broadcast_in_dim3A_155 = vector.broadcast %jit3A_154 : f32 to vector<768x256xf32>
    %select_n3A_156 = arith.select %eq3A_153, %broadcast_in_dim3A_155, %select_n3A_136 : vector<768x256xi1>, vector<768x256xf32>
    %reduce_max3A_157 = arith.constant dense<0xFF800000> : vector<256xf32>
    %reduce_max3A_158 = vector.multi_reduction <maximumf>, %select_n3A_156, %reduce_max3A_157 [0] : vector<768x256xf32> to vector<256xf32>
    %broadcast_in_dim3A_159 = vector.shape_cast %reduce_max3A_158 : vector<256xf32> to vector<1x256xf32>
    %lt3A_160 = vector.broadcast %broadcast_in_dim3A_159 : vector<1x256xf32> to vector<768x256xf32>
    %lt3A_161 = arith.cmpf olt, %get3A_3, %lt3A_160 : vector<768x256xf32>
    %convert_element_type3A_162 = arith.extui %lt3A_161 : vector<768x256xi1> to vector<768x256xi32>
    %add3A_163 = arith.addi %add3A_143, %convert_element_type3A_162 : vector<768x256xi32>
    %lt3A_164 = vector.broadcast %broadcast_in_dim3A_159 : vector<1x256xf32> to vector<768x256xf32>
    %lt3A_165 = arith.cmpf olt, %select_n3A_156, %lt3A_164 : vector<768x256xf32>
    %jit3A_166 = arith.constant 768 : i32
    %broadcast_in_dim3A_167 = vector.broadcast %jit3A_166 : i32 to vector<768x256xi32>
    %select_n3A_168 = arith.select %lt3A_165, %broadcast_in_dim3A_167, %iota3A : vector<768x256xi1>, vector<768x256xi32>
    %reduce_min3A_169 = arith.constant dense<2147483647> : vector<256xi32>
    %reduce_min3A_170 = vector.multi_reduction <minsi>, %select_n3A_168, %reduce_min3A_169 [0] : vector<768x256xi32> to vector<256xi32>
    %broadcast_in_dim3A_171 = vector.shape_cast %reduce_min3A_170 : vector<256xi32> to vector<1x256xi32>
    %eq3A_172 = vector.broadcast %broadcast_in_dim3A_171 : vector<1x256xi32> to vector<768x256xi32>
    %eq3A_173 = arith.cmpi eq, %iota3A, %eq3A_172 : vector<768x256xi32>
    %jit3A_174 = arith.constant 0xFF800000 : f32
    %broadcast_in_dim3A_175 = vector.broadcast %jit3A_174 : f32 to vector<768x256xf32>
    %select_n3A_176 = arith.select %eq3A_173, %broadcast_in_dim3A_175, %select_n3A_156 : vector<768x256xi1>, vector<768x256xf32>
    %reduce_max3A_177 = arith.constant dense<0xFF800000> : vector<256xf32>
    %reduce_max3A_178 = vector.multi_reduction <maximumf>, %select_n3A_176, %reduce_max3A_177 [0] : vector<768x256xf32> to vector<256xf32>
    %broadcast_in_dim3A_179 = vector.shape_cast %reduce_max3A_178 : vector<256xf32> to vector<1x256xf32>
    %lt3A_180 = vector.broadcast %broadcast_in_dim3A_179 : vector<1x256xf32> to vector<768x256xf32>
    %lt3A_181 = arith.cmpf olt, %get3A_3, %lt3A_180 : vector<768x256xf32>
    %convert_element_type3A_182 = arith.extui %lt3A_181 : vector<768x256xi1> to vector<768x256xi32>
    %add3A_183 = arith.addi %add3A_163, %convert_element_type3A_182 : vector<768x256xi32>
    %lt3A_184 = vector.broadcast %broadcast_in_dim3A_179 : vector<1x256xf32> to vector<768x256xf32>
    %lt3A_185 = arith.cmpf olt, %select_n3A_176, %lt3A_184 : vector<768x256xf32>
    %jit3A_186 = arith.constant 768 : i32
    %broadcast_in_dim3A_187 = vector.broadcast %jit3A_186 : i32 to vector<768x256xi32>
    %select_n3A_188 = arith.select %lt3A_185, %broadcast_in_dim3A_187, %iota3A : vector<768x256xi1>, vector<768x256xi32>
    %reduce_min3A_189 = arith.constant dense<2147483647> : vector<256xi32>
    %reduce_min3A_190 = vector.multi_reduction <minsi>, %select_n3A_188, %reduce_min3A_189 [0] : vector<768x256xi32> to vector<256xi32>
    %broadcast_in_dim3A_191 = vector.shape_cast %reduce_min3A_190 : vector<256xi32> to vector<1x256xi32>
    %eq3A_192 = vector.broadcast %broadcast_in_dim3A_191 : vector<1x256xi32> to vector<768x256xi32>
    %eq3A_193 = arith.cmpi eq, %iota3A, %eq3A_192 : vector<768x256xi32>
    %jit3A_194 = arith.constant 0xFF800000 : f32
    %broadcast_in_dim3A_195 = vector.broadcast %jit3A_194 : f32 to vector<768x256xf32>
    %select_n3A_196 = arith.select %eq3A_193, %broadcast_in_dim3A_195, %select_n3A_176 : vector<768x256xi1>, vector<768x256xf32>
    %reduce_max3A_197 = arith.constant dense<0xFF800000> : vector<256xf32>
    %reduce_max3A_198 = vector.multi_reduction <maximumf>, %select_n3A_196, %reduce_max3A_197 [0] : vector<768x256xf32> to vector<256xf32>
    %broadcast_in_dim3A_199 = vector.shape_cast %reduce_max3A_198 : vector<256xf32> to vector<1x256xf32>
    %lt3A_200 = vector.broadcast %broadcast_in_dim3A_199 : vector<1x256xf32> to vector<768x256xf32>
    %lt3A_201 = arith.cmpf olt, %get3A_3, %lt3A_200 : vector<768x256xf32>
    %convert_element_type3A_202 = arith.extui %lt3A_201 : vector<768x256xi1> to vector<768x256xi32>
    %add3A_203 = arith.addi %add3A_183, %convert_element_type3A_202 : vector<768x256xi32>
    %lt3A_204 = vector.broadcast %broadcast_in_dim3A_199 : vector<1x256xf32> to vector<768x256xf32>
    %lt3A_205 = arith.cmpf olt, %select_n3A_196, %lt3A_204 : vector<768x256xf32>
    %jit3A_206 = arith.constant 768 : i32
    %broadcast_in_dim3A_207 = vector.broadcast %jit3A_206 : i32 to vector<768x256xi32>
    %select_n3A_208 = arith.select %lt3A_205, %broadcast_in_dim3A_207, %iota3A : vector<768x256xi1>, vector<768x256xi32>
    %reduce_min3A_209 = arith.constant dense<2147483647> : vector<256xi32>
    %reduce_min3A_210 = vector.multi_reduction <minsi>, %select_n3A_208, %reduce_min3A_209 [0] : vector<768x256xi32> to vector<256xi32>
    %broadcast_in_dim3A_211 = vector.shape_cast %reduce_min3A_210 : vector<256xi32> to vector<1x256xi32>
    %eq3A_212 = vector.broadcast %broadcast_in_dim3A_211 : vector<1x256xi32> to vector<768x256xi32>
    %eq3A_213 = arith.cmpi eq, %iota3A, %eq3A_212 : vector<768x256xi32>
    %jit3A_214 = arith.constant 0xFF800000 : f32
    %broadcast_in_dim3A_215 = vector.broadcast %jit3A_214 : f32 to vector<768x256xf32>
    %select_n3A_216 = arith.select %eq3A_213, %broadcast_in_dim3A_215, %select_n3A_196 : vector<768x256xi1>, vector<768x256xf32>
    %reduce_max3A_217 = arith.constant dense<0xFF800000> : vector<256xf32>
    %reduce_max3A_218 = vector.multi_reduction <maximumf>, %select_n3A_216, %reduce_max3A_217 [0] : vector<768x256xf32> to vector<256xf32>
    %broadcast_in_dim3A_219 = vector.shape_cast %reduce_max3A_218 : vector<256xf32> to vector<1x256xf32>
    %lt3A_220 = vector.broadcast %broadcast_in_dim3A_219 : vector<1x256xf32> to vector<768x256xf32>
    %lt3A_221 = arith.cmpf olt, %get3A_3, %lt3A_220 : vector<768x256xf32>
    %convert_element_type3A_222 = arith.extui %lt3A_221 : vector<768x256xi1> to vector<768x256xi32>
    %add3A_223 = arith.addi %add3A_203, %convert_element_type3A_222 : vector<768x256xi32>
    %lt3A_224 = vector.broadcast %broadcast_in_dim3A_219 : vector<1x256xf32> to vector<768x256xf32>
    %lt3A_225 = arith.cmpf olt, %select_n3A_216, %lt3A_224 : vector<768x256xf32>
    %jit3A_226 = arith.constant 768 : i32
    %broadcast_in_dim3A_227 = vector.broadcast %jit3A_226 : i32 to vector<768x256xi32>
    %select_n3A_228 = arith.select %lt3A_225, %broadcast_in_dim3A_227, %iota3A : vector<768x256xi1>, vector<768x256xi32>
    %reduce_min3A_229 = arith.constant dense<2147483647> : vector<256xi32>
    %reduce_min3A_230 = vector.multi_reduction <minsi>, %select_n3A_228, %reduce_min3A_229 [0] : vector<768x256xi32> to vector<256xi32>
    %broadcast_in_dim3A_231 = vector.shape_cast %reduce_min3A_230 : vector<256xi32> to vector<1x256xi32>
    %eq3A_232 = vector.broadcast %broadcast_in_dim3A_231 : vector<1x256xi32> to vector<768x256xi32>
    %eq3A_233 = arith.cmpi eq, %iota3A, %eq3A_232 : vector<768x256xi32>
    %jit3A_234 = arith.constant 0xFF800000 : f32
    %broadcast_in_dim3A_235 = vector.broadcast %jit3A_234 : f32 to vector<768x256xf32>
    %select_n3A_236 = arith.select %eq3A_233, %broadcast_in_dim3A_235, %select_n3A_216 : vector<768x256xi1>, vector<768x256xf32>
    %reduce_max3A_237 = arith.constant dense<0xFF800000> : vector<256xf32>
    %reduce_max3A_238 = vector.multi_reduction <maximumf>, %select_n3A_236, %reduce_max3A_237 [0] : vector<768x256xf32> to vector<256xf32>
    %broadcast_in_dim3A_239 = vector.shape_cast %reduce_max3A_238 : vector<256xf32> to vector<1x256xf32>
    %lt3A_240 = vector.broadcast %broadcast_in_dim3A_239 : vector<1x256xf32> to vector<768x256xf32>
    %lt3A_241 = arith.cmpf olt, %get3A_3, %lt3A_240 : vector<768x256xf32>
    %convert_element_type3A_242 = arith.extui %lt3A_241 : vector<768x256xi1> to vector<768x256xi32>
    %add3A_243 = arith.addi %add3A_223, %convert_element_type3A_242 : vector<768x256xi32>
    %lt3A_244 = vector.broadcast %broadcast_in_dim3A_239 : vector<1x256xf32> to vector<768x256xf32>
    %lt3A_245 = arith.cmpf olt, %select_n3A_236, %lt3A_244 : vector<768x256xf32>
    %jit3A_246 = arith.constant 768 : i32
    %broadcast_in_dim3A_247 = vector.broadcast %jit3A_246 : i32 to vector<768x256xi32>
    %select_n3A_248 = arith.select %lt3A_245, %broadcast_in_dim3A_247, %iota3A : vector<768x256xi1>, vector<768x256xi32>
    %reduce_min3A_249 = arith.constant dense<2147483647> : vector<256xi32>
    %reduce_min3A_250 = vector.multi_reduction <minsi>, %select_n3A_248, %reduce_min3A_249 [0] : vector<768x256xi32> to vector<256xi32>
    %broadcast_in_dim3A_251 = vector.shape_cast %reduce_min3A_250 : vector<256xi32> to vector<1x256xi32>
    %eq3A_252 = vector.broadcast %broadcast_in_dim3A_251 : vector<1x256xi32> to vector<768x256xi32>
    %eq3A_253 = arith.cmpi eq, %iota3A, %eq3A_252 : vector<768x256xi32>
    %jit3A_254 = arith.constant 0xFF800000 : f32
    %broadcast_in_dim3A_255 = vector.broadcast %jit3A_254 : f32 to vector<768x256xf32>
    %select_n3A_256 = arith.select %eq3A_253, %broadcast_in_dim3A_255, %select_n3A_236 : vector<768x256xi1>, vector<768x256xf32>
    %reduce_max3A_257 = arith.constant dense<0xFF800000> : vector<256xf32>
    %reduce_max3A_258 = vector.multi_reduction <maximumf>, %select_n3A_256, %reduce_max3A_257 [0] : vector<768x256xf32> to vector<256xf32>
    %broadcast_in_dim3A_259 = vector.shape_cast %reduce_max3A_258 : vector<256xf32> to vector<1x256xf32>
    %lt3A_260 = vector.broadcast %broadcast_in_dim3A_259 : vector<1x256xf32> to vector<768x256xf32>
    %lt3A_261 = arith.cmpf olt, %get3A_3, %lt3A_260 : vector<768x256xf32>
    %convert_element_type3A_262 = arith.extui %lt3A_261 : vector<768x256xi1> to vector<768x256xi32>
    %add3A_263 = arith.addi %add3A_243, %convert_element_type3A_262 : vector<768x256xi32>
    %lt3A_264 = vector.broadcast %broadcast_in_dim3A_259 : vector<1x256xf32> to vector<768x256xf32>
    %lt3A_265 = arith.cmpf olt, %select_n3A_256, %lt3A_264 : vector<768x256xf32>
    %jit3A_266 = arith.constant 768 : i32
    %broadcast_in_dim3A_267 = vector.broadcast %jit3A_266 : i32 to vector<768x256xi32>
    %select_n3A_268 = arith.select %lt3A_265, %broadcast_in_dim3A_267, %iota3A : vector<768x256xi1>, vector<768x256xi32>
    %reduce_min3A_269 = arith.constant dense<2147483647> : vector<256xi32>
    %reduce_min3A_270 = vector.multi_reduction <minsi>, %select_n3A_268, %reduce_min3A_269 [0] : vector<768x256xi32> to vector<256xi32>
    %broadcast_in_dim3A_271 = vector.shape_cast %reduce_min3A_270 : vector<256xi32> to vector<1x256xi32>
    %eq3A_272 = vector.broadcast %broadcast_in_dim3A_271 : vector<1x256xi32> to vector<768x256xi32>
    %eq3A_273 = arith.cmpi eq, %iota3A, %eq3A_272 : vector<768x256xi32>
    %jit3A_274 = arith.constant 0xFF800000 : f32
    %broadcast_in_dim3A_275 = vector.broadcast %jit3A_274 : f32 to vector<768x256xf32>
    %select_n3A_276 = arith.select %eq3A_273, %broadcast_in_dim3A_275, %select_n3A_256 : vector<768x256xi1>, vector<768x256xf32>
    %reduce_max3A_277 = arith.constant dense<0xFF800000> : vector<256xf32>
    %reduce_max3A_278 = vector.multi_reduction <maximumf>, %select_n3A_276, %reduce_max3A_277 [0] : vector<768x256xf32> to vector<256xf32>
    %broadcast_in_dim3A_279 = vector.shape_cast %reduce_max3A_278 : vector<256xf32> to vector<1x256xf32>
    %lt3A_280 = vector.broadcast %broadcast_in_dim3A_279 : vector<1x256xf32> to vector<768x256xf32>
    %lt3A_281 = arith.cmpf olt, %get3A_3, %lt3A_280 : vector<768x256xf32>
    %convert_element_type3A_282 = arith.extui %lt3A_281 : vector<768x256xi1> to vector<768x256xi32>
    %add3A_283 = arith.addi %add3A_263, %convert_element_type3A_282 : vector<768x256xi32>
    %lt3A_284 = vector.broadcast %broadcast_in_dim3A_279 : vector<1x256xf32> to vector<768x256xf32>
    %lt3A_285 = arith.cmpf olt, %select_n3A_276, %lt3A_284 : vector<768x256xf32>
    %jit3A_286 = arith.constant 768 : i32
    %broadcast_in_dim3A_287 = vector.broadcast %jit3A_286 : i32 to vector<768x256xi32>
    %select_n3A_288 = arith.select %lt3A_285, %broadcast_in_dim3A_287, %iota3A : vector<768x256xi1>, vector<768x256xi32>
    %reduce_min3A_289 = arith.constant dense<2147483647> : vector<256xi32>
    %reduce_min3A_290 = vector.multi_reduction <minsi>, %select_n3A_288, %reduce_min3A_289 [0] : vector<768x256xi32> to vector<256xi32>
    %broadcast_in_dim3A_291 = vector.shape_cast %reduce_min3A_290 : vector<256xi32> to vector<1x256xi32>
    %eq3A_292 = vector.broadcast %broadcast_in_dim3A_291 : vector<1x256xi32> to vector<768x256xi32>
    %eq3A_293 = arith.cmpi eq, %iota3A, %eq3A_292 : vector<768x256xi32>
    %jit3A_294 = arith.constant 0xFF800000 : f32
    %broadcast_in_dim3A_295 = vector.broadcast %jit3A_294 : f32 to vector<768x256xf32>
    %select_n3A_296 = arith.select %eq3A_293, %broadcast_in_dim3A_295, %select_n3A_276 : vector<768x256xi1>, vector<768x256xf32>
    %reduce_max3A_297 = arith.constant dense<0xFF800000> : vector<256xf32>
    %reduce_max3A_298 = vector.multi_reduction <maximumf>, %select_n3A_296, %reduce_max3A_297 [0] : vector<768x256xf32> to vector<256xf32>
    %broadcast_in_dim3A_299 = vector.shape_cast %reduce_max3A_298 : vector<256xf32> to vector<1x256xf32>
    %lt3A_300 = vector.broadcast %broadcast_in_dim3A_299 : vector<1x256xf32> to vector<768x256xf32>
    %lt3A_301 = arith.cmpf olt, %get3A_3, %lt3A_300 : vector<768x256xf32>
    %convert_element_type3A_302 = arith.extui %lt3A_301 : vector<768x256xi1> to vector<768x256xi32>
    %add3A_303 = arith.addi %add3A_283, %convert_element_type3A_302 : vector<768x256xi32>
    %lt3A_304 = vector.broadcast %broadcast_in_dim3A_299 : vector<1x256xf32> to vector<768x256xf32>
    %lt3A_305 = arith.cmpf olt, %select_n3A_296, %lt3A_304 : vector<768x256xf32>
    %jit3A_306 = arith.constant 768 : i32
    %broadcast_in_dim3A_307 = vector.broadcast %jit3A_306 : i32 to vector<768x256xi32>
    %select_n3A_308 = arith.select %lt3A_305, %broadcast_in_dim3A_307, %iota3A : vector<768x256xi1>, vector<768x256xi32>
    %reduce_min3A_309 = arith.constant dense<2147483647> : vector<256xi32>
    %reduce_min3A_310 = vector.multi_reduction <minsi>, %select_n3A_308, %reduce_min3A_309 [0] : vector<768x256xi32> to vector<256xi32>
    %broadcast_in_dim3A_311 = vector.shape_cast %reduce_min3A_310 : vector<256xi32> to vector<1x256xi32>
    %eq3A_312 = vector.broadcast %broadcast_in_dim3A_311 : vector<1x256xi32> to vector<768x256xi32>
    %eq3A_313 = arith.cmpi eq, %iota3A, %eq3A_312 : vector<768x256xi32>
    %jit3A_314 = arith.constant 0xFF800000 : f32
    %broadcast_in_dim3A_315 = vector.broadcast %jit3A_314 : f32 to vector<768x256xf32>
    %select_n3A_316 = arith.select %eq3A_313, %broadcast_in_dim3A_315, %select_n3A_296 : vector<768x256xi1>, vector<768x256xf32>
    %reduce_max3A_317 = arith.constant dense<0xFF800000> : vector<256xf32>
    %reduce_max3A_318 = vector.multi_reduction <maximumf>, %select_n3A_316, %reduce_max3A_317 [0] : vector<768x256xf32> to vector<256xf32>
    %broadcast_in_dim3A_319 = vector.shape_cast %reduce_max3A_318 : vector<256xf32> to vector<1x256xf32>
    %lt3A_320 = vector.broadcast %broadcast_in_dim3A_319 : vector<1x256xf32> to vector<768x256xf32>
    %lt3A_321 = arith.cmpf olt, %get3A_3, %lt3A_320 : vector<768x256xf32>
    %convert_element_type3A_322 = arith.extui %lt3A_321 : vector<768x256xi1> to vector<768x256xi32>
    %add3A_323 = arith.addi %add3A_303, %convert_element_type3A_322 : vector<768x256xi32>
    %lt3A_324 = vector.broadcast %broadcast_in_dim3A_319 : vector<1x256xf32> to vector<768x256xf32>
    %lt3A_325 = arith.cmpf olt, %select_n3A_316, %lt3A_324 : vector<768x256xf32>
    %jit3A_326 = arith.constant 768 : i32
    %broadcast_in_dim3A_327 = vector.broadcast %jit3A_326 : i32 to vector<768x256xi32>
    %select_n3A_328 = arith.select %lt3A_325, %broadcast_in_dim3A_327, %iota3A : vector<768x256xi1>, vector<768x256xi32>
    %reduce_min3A_329 = arith.constant dense<2147483647> : vector<256xi32>
    %reduce_min3A_330 = vector.multi_reduction <minsi>, %select_n3A_328, %reduce_min3A_329 [0] : vector<768x256xi32> to vector<256xi32>
    %broadcast_in_dim3A_331 = vector.shape_cast %reduce_min3A_330 : vector<256xi32> to vector<1x256xi32>
    %eq3A_332 = vector.broadcast %broadcast_in_dim3A_331 : vector<1x256xi32> to vector<768x256xi32>
    %eq3A_333 = arith.cmpi eq, %iota3A, %eq3A_332 : vector<768x256xi32>
    %jit3A_334 = arith.constant 0xFF800000 : f32
    %broadcast_in_dim3A_335 = vector.broadcast %jit3A_334 : f32 to vector<768x256xf32>
    %select_n3A_336 = arith.select %eq3A_333, %broadcast_in_dim3A_335, %select_n3A_316 : vector<768x256xi1>, vector<768x256xf32>
    %reduce_max3A_337 = arith.constant dense<0xFF800000> : vector<256xf32>
    %reduce_max3A_338 = vector.multi_reduction <maximumf>, %select_n3A_336, %reduce_max3A_337 [0] : vector<768x256xf32> to vector<256xf32>
    %broadcast_in_dim3A_339 = vector.shape_cast %reduce_max3A_338 : vector<256xf32> to vector<1x256xf32>
    %lt3A_340 = vector.broadcast %broadcast_in_dim3A_339 : vector<1x256xf32> to vector<768x256xf32>
    %lt3A_341 = arith.cmpf olt, %get3A_3, %lt3A_340 : vector<768x256xf32>
    %convert_element_type3A_342 = arith.extui %lt3A_341 : vector<768x256xi1> to vector<768x256xi32>
    %add3A_343 = arith.addi %add3A_323, %convert_element_type3A_342 : vector<768x256xi32>
    %lt3A_344 = vector.broadcast %broadcast_in_dim3A_339 : vector<1x256xf32> to vector<768x256xf32>
    %lt3A_345 = arith.cmpf olt, %select_n3A_336, %lt3A_344 : vector<768x256xf32>
    %jit3A_346 = arith.constant 768 : i32
    %broadcast_in_dim3A_347 = vector.broadcast %jit3A_346 : i32 to vector<768x256xi32>
    %select_n3A_348 = arith.select %lt3A_345, %broadcast_in_dim3A_347, %iota3A : vector<768x256xi1>, vector<768x256xi32>
    %reduce_min3A_349 = arith.constant dense<2147483647> : vector<256xi32>
    %reduce_min3A_350 = vector.multi_reduction <minsi>, %select_n3A_348, %reduce_min3A_349 [0] : vector<768x256xi32> to vector<256xi32>
    %broadcast_in_dim3A_351 = vector.shape_cast %reduce_min3A_350 : vector<256xi32> to vector<1x256xi32>
    %eq3A_352 = vector.broadcast %broadcast_in_dim3A_351 : vector<1x256xi32> to vector<768x256xi32>
    %eq3A_353 = arith.cmpi eq, %iota3A, %eq3A_352 : vector<768x256xi32>
    %jit3A_354 = arith.constant 0xFF800000 : f32
    %broadcast_in_dim3A_355 = vector.broadcast %jit3A_354 : f32 to vector<768x256xf32>
    %select_n3A_356 = arith.select %eq3A_353, %broadcast_in_dim3A_355, %select_n3A_336 : vector<768x256xi1>, vector<768x256xf32>
    %reduce_max3A_357 = arith.constant dense<0xFF800000> : vector<256xf32>
    %reduce_max3A_358 = vector.multi_reduction <maximumf>, %select_n3A_356, %reduce_max3A_357 [0] : vector<768x256xf32> to vector<256xf32>
    %broadcast_in_dim3A_359 = vector.shape_cast %reduce_max3A_358 : vector<256xf32> to vector<1x256xf32>
    %lt3A_360 = vector.broadcast %broadcast_in_dim3A_359 : vector<1x256xf32> to vector<768x256xf32>
    %lt3A_361 = arith.cmpf olt, %get3A_3, %lt3A_360 : vector<768x256xf32>
    %convert_element_type3A_362 = arith.extui %lt3A_361 : vector<768x256xi1> to vector<768x256xi32>
    %add3A_363 = arith.addi %add3A_343, %convert_element_type3A_362 : vector<768x256xi32>
    %lt3A_364 = vector.broadcast %broadcast_in_dim3A_359 : vector<1x256xf32> to vector<768x256xf32>
    %lt3A_365 = arith.cmpf olt, %select_n3A_356, %lt3A_364 : vector<768x256xf32>
    %jit3A_366 = arith.constant 768 : i32
    %broadcast_in_dim3A_367 = vector.broadcast %jit3A_366 : i32 to vector<768x256xi32>
    %select_n3A_368 = arith.select %lt3A_365, %broadcast_in_dim3A_367, %iota3A : vector<768x256xi1>, vector<768x256xi32>
    %reduce_min3A_369 = arith.constant dense<2147483647> : vector<256xi32>
    %reduce_min3A_370 = vector.multi_reduction <minsi>, %select_n3A_368, %reduce_min3A_369 [0] : vector<768x256xi32> to vector<256xi32>
    %broadcast_in_dim3A_371 = vector.shape_cast %reduce_min3A_370 : vector<256xi32> to vector<1x256xi32>
    %eq3A_372 = vector.broadcast %broadcast_in_dim3A_371 : vector<1x256xi32> to vector<768x256xi32>
    %eq3A_373 = arith.cmpi eq, %iota3A, %eq3A_372 : vector<768x256xi32>
    %jit3A_374 = arith.constant 0xFF800000 : f32
    %broadcast_in_dim3A_375 = vector.broadcast %jit3A_374 : f32 to vector<768x256xf32>
    %select_n3A_376 = arith.select %eq3A_373, %broadcast_in_dim3A_375, %select_n3A_356 : vector<768x256xi1>, vector<768x256xf32>
    %reduce_max3A_377 = arith.constant dense<0xFF800000> : vector<256xf32>
    %reduce_max3A_378 = vector.multi_reduction <maximumf>, %select_n3A_376, %reduce_max3A_377 [0] : vector<768x256xf32> to vector<256xf32>
    %broadcast_in_dim3A_379 = vector.shape_cast %reduce_max3A_378 : vector<256xf32> to vector<1x256xf32>
    %lt3A_380 = vector.broadcast %broadcast_in_dim3A_379 : vector<1x256xf32> to vector<768x256xf32>
    %lt3A_381 = arith.cmpf olt, %get3A_3, %lt3A_380 : vector<768x256xf32>
    %convert_element_type3A_382 = arith.extui %lt3A_381 : vector<768x256xi1> to vector<768x256xi32>
    %add3A_383 = arith.addi %add3A_363, %convert_element_type3A_382 : vector<768x256xi32>
    %lt3A_384 = vector.broadcast %broadcast_in_dim3A_379 : vector<1x256xf32> to vector<768x256xf32>
    %lt3A_385 = arith.cmpf olt, %select_n3A_376, %lt3A_384 : vector<768x256xf32>
    %jit3A_386 = arith.constant 768 : i32
    %broadcast_in_dim3A_387 = vector.broadcast %jit3A_386 : i32 to vector<768x256xi32>
    %select_n3A_388 = arith.select %lt3A_385, %broadcast_in_dim3A_387, %iota3A : vector<768x256xi1>, vector<768x256xi32>
    %reduce_min3A_389 = arith.constant dense<2147483647> : vector<256xi32>
    %reduce_min3A_390 = vector.multi_reduction <minsi>, %select_n3A_388, %reduce_min3A_389 [0] : vector<768x256xi32> to vector<256xi32>
    %broadcast_in_dim3A_391 = vector.shape_cast %reduce_min3A_390 : vector<256xi32> to vector<1x256xi32>
    %eq3A_392 = vector.broadcast %broadcast_in_dim3A_391 : vector<1x256xi32> to vector<768x256xi32>
    %eq3A_393 = arith.cmpi eq, %iota3A, %eq3A_392 : vector<768x256xi32>
    %jit3A_394 = arith.constant 0xFF800000 : f32
    %broadcast_in_dim3A_395 = vector.broadcast %jit3A_394 : f32 to vector<768x256xf32>
    %select_n3A_396 = arith.select %eq3A_393, %broadcast_in_dim3A_395, %select_n3A_376 : vector<768x256xi1>, vector<768x256xf32>
    %reduce_max3A_397 = arith.constant dense<0xFF800000> : vector<256xf32>
    %reduce_max3A_398 = vector.multi_reduction <maximumf>, %select_n3A_396, %reduce_max3A_397 [0] : vector<768x256xf32> to vector<256xf32>
    %broadcast_in_dim3A_399 = vector.shape_cast %reduce_max3A_398 : vector<256xf32> to vector<1x256xf32>
    %lt3A_400 = vector.broadcast %broadcast_in_dim3A_399 : vector<1x256xf32> to vector<768x256xf32>
    %lt3A_401 = arith.cmpf olt, %get3A_3, %lt3A_400 : vector<768x256xf32>
    %convert_element_type3A_402 = arith.extui %lt3A_401 : vector<768x256xi1> to vector<768x256xi32>
    %add3A_403 = arith.addi %add3A_383, %convert_element_type3A_402 : vector<768x256xi32>
    %lt3A_404 = vector.broadcast %broadcast_in_dim3A_399 : vector<1x256xf32> to vector<768x256xf32>
    %lt3A_405 = arith.cmpf olt, %select_n3A_396, %lt3A_404 : vector<768x256xf32>
    %jit3A_406 = arith.constant 768 : i32
    %broadcast_in_dim3A_407 = vector.broadcast %jit3A_406 : i32 to vector<768x256xi32>
    %select_n3A_408 = arith.select %lt3A_405, %broadcast_in_dim3A_407, %iota3A : vector<768x256xi1>, vector<768x256xi32>
    %reduce_min3A_409 = arith.constant dense<2147483647> : vector<256xi32>
    %reduce_min3A_410 = vector.multi_reduction <minsi>, %select_n3A_408, %reduce_min3A_409 [0] : vector<768x256xi32> to vector<256xi32>
    %broadcast_in_dim3A_411 = vector.shape_cast %reduce_min3A_410 : vector<256xi32> to vector<1x256xi32>
    %eq3A_412 = vector.broadcast %broadcast_in_dim3A_411 : vector<1x256xi32> to vector<768x256xi32>
    %eq3A_413 = arith.cmpi eq, %iota3A, %eq3A_412 : vector<768x256xi32>
    %jit3A_414 = arith.constant 0xFF800000 : f32
    %broadcast_in_dim3A_415 = vector.broadcast %jit3A_414 : f32 to vector<768x256xf32>
    %select_n3A_416 = arith.select %eq3A_413, %broadcast_in_dim3A_415, %select_n3A_396 : vector<768x256xi1>, vector<768x256xf32>
    %reduce_max3A_417 = arith.constant dense<0xFF800000> : vector<256xf32>
    %reduce_max3A_418 = vector.multi_reduction <maximumf>, %select_n3A_416, %reduce_max3A_417 [0] : vector<768x256xf32> to vector<256xf32>
    %broadcast_in_dim3A_419 = vector.shape_cast %reduce_max3A_418 : vector<256xf32> to vector<1x256xf32>
    %lt3A_420 = vector.broadcast %broadcast_in_dim3A_419 : vector<1x256xf32> to vector<768x256xf32>
    %lt3A_421 = arith.cmpf olt, %get3A_3, %lt3A_420 : vector<768x256xf32>
    %convert_element_type3A_422 = arith.extui %lt3A_421 : vector<768x256xi1> to vector<768x256xi32>
    %add3A_423 = arith.addi %add3A_403, %convert_element_type3A_422 : vector<768x256xi32>
    %lt3A_424 = vector.broadcast %broadcast_in_dim3A_419 : vector<1x256xf32> to vector<768x256xf32>
    %lt3A_425 = arith.cmpf olt, %select_n3A_416, %lt3A_424 : vector<768x256xf32>
    %jit3A_426 = arith.constant 768 : i32
    %broadcast_in_dim3A_427 = vector.broadcast %jit3A_426 : i32 to vector<768x256xi32>
    %select_n3A_428 = arith.select %lt3A_425, %broadcast_in_dim3A_427, %iota3A : vector<768x256xi1>, vector<768x256xi32>
    %reduce_min3A_429 = arith.constant dense<2147483647> : vector<256xi32>
    %reduce_min3A_430 = vector.multi_reduction <minsi>, %select_n3A_428, %reduce_min3A_429 [0] : vector<768x256xi32> to vector<256xi32>
    %broadcast_in_dim3A_431 = vector.shape_cast %reduce_min3A_430 : vector<256xi32> to vector<1x256xi32>
    %eq3A_432 = vector.broadcast %broadcast_in_dim3A_431 : vector<1x256xi32> to vector<768x256xi32>
    %eq3A_433 = arith.cmpi eq, %iota3A, %eq3A_432 : vector<768x256xi32>
    %jit3A_434 = arith.constant 0xFF800000 : f32
    %broadcast_in_dim3A_435 = vector.broadcast %jit3A_434 : f32 to vector<768x256xf32>
    %select_n3A_436 = arith.select %eq3A_433, %broadcast_in_dim3A_435, %select_n3A_416 : vector<768x256xi1>, vector<768x256xf32>
    %reduce_max3A_437 = arith.constant dense<0xFF800000> : vector<256xf32>
    %reduce_max3A_438 = vector.multi_reduction <maximumf>, %select_n3A_436, %reduce_max3A_437 [0] : vector<768x256xf32> to vector<256xf32>
    %broadcast_in_dim3A_439 = vector.shape_cast %reduce_max3A_438 : vector<256xf32> to vector<1x256xf32>
    %lt3A_440 = vector.broadcast %broadcast_in_dim3A_439 : vector<1x256xf32> to vector<768x256xf32>
    %lt3A_441 = arith.cmpf olt, %get3A_3, %lt3A_440 : vector<768x256xf32>
    %convert_element_type3A_442 = arith.extui %lt3A_441 : vector<768x256xi1> to vector<768x256xi32>
    %add3A_443 = arith.addi %add3A_423, %convert_element_type3A_442 : vector<768x256xi32>
    %lt3A_444 = vector.broadcast %broadcast_in_dim3A_439 : vector<1x256xf32> to vector<768x256xf32>
    %lt3A_445 = arith.cmpf olt, %select_n3A_436, %lt3A_444 : vector<768x256xf32>
    %jit3A_446 = arith.constant 768 : i32
    %broadcast_in_dim3A_447 = vector.broadcast %jit3A_446 : i32 to vector<768x256xi32>
    %select_n3A_448 = arith.select %lt3A_445, %broadcast_in_dim3A_447, %iota3A : vector<768x256xi1>, vector<768x256xi32>
    %reduce_min3A_449 = arith.constant dense<2147483647> : vector<256xi32>
    %reduce_min3A_450 = vector.multi_reduction <minsi>, %select_n3A_448, %reduce_min3A_449 [0] : vector<768x256xi32> to vector<256xi32>
    %broadcast_in_dim3A_451 = vector.shape_cast %reduce_min3A_450 : vector<256xi32> to vector<1x256xi32>
    %eq3A_452 = vector.broadcast %broadcast_in_dim3A_451 : vector<1x256xi32> to vector<768x256xi32>
    %eq3A_453 = arith.cmpi eq, %iota3A, %eq3A_452 : vector<768x256xi32>
    %jit3A_454 = arith.constant 0xFF800000 : f32
    %broadcast_in_dim3A_455 = vector.broadcast %jit3A_454 : f32 to vector<768x256xf32>
    %select_n3A_456 = arith.select %eq3A_453, %broadcast_in_dim3A_455, %select_n3A_436 : vector<768x256xi1>, vector<768x256xf32>
    %reduce_max3A_457 = arith.constant dense<0xFF800000> : vector<256xf32>
    %reduce_max3A_458 = vector.multi_reduction <maximumf>, %select_n3A_456, %reduce_max3A_457 [0] : vector<768x256xf32> to vector<256xf32>
    %broadcast_in_dim3A_459 = vector.shape_cast %reduce_max3A_458 : vector<256xf32> to vector<1x256xf32>
    %lt3A_460 = vector.broadcast %broadcast_in_dim3A_459 : vector<1x256xf32> to vector<768x256xf32>
    %lt3A_461 = arith.cmpf olt, %get3A_3, %lt3A_460 : vector<768x256xf32>
    %convert_element_type3A_462 = arith.extui %lt3A_461 : vector<768x256xi1> to vector<768x256xi32>
    %add3A_463 = arith.addi %add3A_443, %convert_element_type3A_462 : vector<768x256xi32>
    %lt3A_464 = vector.broadcast %broadcast_in_dim3A_459 : vector<1x256xf32> to vector<768x256xf32>
    %lt3A_465 = arith.cmpf olt, %select_n3A_456, %lt3A_464 : vector<768x256xf32>
    %jit3A_466 = arith.constant 768 : i32
    %broadcast_in_dim3A_467 = vector.broadcast %jit3A_466 : i32 to vector<768x256xi32>
    %select_n3A_468 = arith.select %lt3A_465, %broadcast_in_dim3A_467, %iota3A : vector<768x256xi1>, vector<768x256xi32>
    %reduce_min3A_469 = arith.constant dense<2147483647> : vector<256xi32>
    %reduce_min3A_470 = vector.multi_reduction <minsi>, %select_n3A_468, %reduce_min3A_469 [0] : vector<768x256xi32> to vector<256xi32>
    %broadcast_in_dim3A_471 = vector.shape_cast %reduce_min3A_470 : vector<256xi32> to vector<1x256xi32>
    %eq3A_472 = vector.broadcast %broadcast_in_dim3A_471 : vector<1x256xi32> to vector<768x256xi32>
    %eq3A_473 = arith.cmpi eq, %iota3A, %eq3A_472 : vector<768x256xi32>
    %jit3A_474 = arith.constant 0xFF800000 : f32
    %broadcast_in_dim3A_475 = vector.broadcast %jit3A_474 : f32 to vector<768x256xf32>
    %select_n3A_476 = arith.select %eq3A_473, %broadcast_in_dim3A_475, %select_n3A_456 : vector<768x256xi1>, vector<768x256xf32>
    %reduce_max3A_477 = arith.constant dense<0xFF800000> : vector<256xf32>
    %reduce_max3A_478 = vector.multi_reduction <maximumf>, %select_n3A_476, %reduce_max3A_477 [0] : vector<768x256xf32> to vector<256xf32>
    %broadcast_in_dim3A_479 = vector.shape_cast %reduce_max3A_478 : vector<256xf32> to vector<1x256xf32>
    %lt3A_480 = vector.broadcast %broadcast_in_dim3A_479 : vector<1x256xf32> to vector<768x256xf32>
    %lt3A_481 = arith.cmpf olt, %get3A_3, %lt3A_480 : vector<768x256xf32>
    %convert_element_type3A_482 = arith.extui %lt3A_481 : vector<768x256xi1> to vector<768x256xi32>
    %add3A_483 = arith.addi %add3A_463, %convert_element_type3A_482 : vector<768x256xi32>
    %lt3A_484 = vector.broadcast %broadcast_in_dim3A_479 : vector<1x256xf32> to vector<768x256xf32>
    %lt3A_485 = arith.cmpf olt, %select_n3A_476, %lt3A_484 : vector<768x256xf32>
    %jit3A_486 = arith.constant 768 : i32
    %broadcast_in_dim3A_487 = vector.broadcast %jit3A_486 : i32 to vector<768x256xi32>
    %select_n3A_488 = arith.select %lt3A_485, %broadcast_in_dim3A_487, %iota3A : vector<768x256xi1>, vector<768x256xi32>
    %reduce_min3A_489 = arith.constant dense<2147483647> : vector<256xi32>
    %reduce_min3A_490 = vector.multi_reduction <minsi>, %select_n3A_488, %reduce_min3A_489 [0] : vector<768x256xi32> to vector<256xi32>
    %broadcast_in_dim3A_491 = vector.shape_cast %reduce_min3A_490 : vector<256xi32> to vector<1x256xi32>
    %eq3A_492 = vector.broadcast %broadcast_in_dim3A_491 : vector<1x256xi32> to vector<768x256xi32>
    %eq3A_493 = arith.cmpi eq, %iota3A, %eq3A_492 : vector<768x256xi32>
    %jit3A_494 = arith.constant 0xFF800000 : f32
    %broadcast_in_dim3A_495 = vector.broadcast %jit3A_494 : f32 to vector<768x256xf32>
    %select_n3A_496 = arith.select %eq3A_493, %broadcast_in_dim3A_495, %select_n3A_476 : vector<768x256xi1>, vector<768x256xf32>
    %reduce_max3A_497 = arith.constant dense<0xFF800000> : vector<256xf32>
    %reduce_max3A_498 = vector.multi_reduction <maximumf>, %select_n3A_496, %reduce_max3A_497 [0] : vector<768x256xf32> to vector<256xf32>
    %broadcast_in_dim3A_499 = vector.shape_cast %reduce_max3A_498 : vector<256xf32> to vector<1x256xf32>
    %lt3A_500 = vector.broadcast %broadcast_in_dim3A_499 : vector<1x256xf32> to vector<768x256xf32>
    %lt3A_501 = arith.cmpf olt, %get3A_3, %lt3A_500 : vector<768x256xf32>
    %convert_element_type3A_502 = arith.extui %lt3A_501 : vector<768x256xi1> to vector<768x256xi32>
    %add3A_503 = arith.addi %add3A_483, %convert_element_type3A_502 : vector<768x256xi32>
    %lt3A_504 = vector.broadcast %broadcast_in_dim3A_499 : vector<1x256xf32> to vector<768x256xf32>
    %lt3A_505 = arith.cmpf olt, %select_n3A_496, %lt3A_504 : vector<768x256xf32>
    %jit3A_506 = arith.constant 768 : i32
    %broadcast_in_dim3A_507 = vector.broadcast %jit3A_506 : i32 to vector<768x256xi32>
    %select_n3A_508 = arith.select %lt3A_505, %broadcast_in_dim3A_507, %iota3A : vector<768x256xi1>, vector<768x256xi32>
    %reduce_min3A_509 = arith.constant dense<2147483647> : vector<256xi32>
    %reduce_min3A_510 = vector.multi_reduction <minsi>, %select_n3A_508, %reduce_min3A_509 [0] : vector<768x256xi32> to vector<256xi32>
    %broadcast_in_dim3A_511 = vector.shape_cast %reduce_min3A_510 : vector<256xi32> to vector<1x256xi32>
    %eq3A_512 = vector.broadcast %broadcast_in_dim3A_511 : vector<1x256xi32> to vector<768x256xi32>
    %eq3A_513 = arith.cmpi eq, %iota3A, %eq3A_512 : vector<768x256xi32>
    %jit3A_514 = arith.constant 0xFF800000 : f32
    %broadcast_in_dim3A_515 = vector.broadcast %jit3A_514 : f32 to vector<768x256xf32>
    %select_n3A_516 = arith.select %eq3A_513, %broadcast_in_dim3A_515, %select_n3A_496 : vector<768x256xi1>, vector<768x256xf32>
    %reduce_max3A_517 = arith.constant dense<0xFF800000> : vector<256xf32>
    %reduce_max3A_518 = vector.multi_reduction <maximumf>, %select_n3A_516, %reduce_max3A_517 [0] : vector<768x256xf32> to vector<256xf32>
    %broadcast_in_dim3A_519 = vector.shape_cast %reduce_max3A_518 : vector<256xf32> to vector<1x256xf32>
    %lt3A_520 = vector.broadcast %broadcast_in_dim3A_519 : vector<1x256xf32> to vector<768x256xf32>
    %lt3A_521 = arith.cmpf olt, %get3A_3, %lt3A_520 : vector<768x256xf32>
    %convert_element_type3A_522 = arith.extui %lt3A_521 : vector<768x256xi1> to vector<768x256xi32>
    %add3A_523 = arith.addi %add3A_503, %convert_element_type3A_522 : vector<768x256xi32>
    %lt3A_524 = vector.broadcast %broadcast_in_dim3A_519 : vector<1x256xf32> to vector<768x256xf32>
    %lt3A_525 = arith.cmpf olt, %select_n3A_516, %lt3A_524 : vector<768x256xf32>
    %jit3A_526 = arith.constant 768 : i32
    %broadcast_in_dim3A_527 = vector.broadcast %jit3A_526 : i32 to vector<768x256xi32>
    %select_n3A_528 = arith.select %lt3A_525, %broadcast_in_dim3A_527, %iota3A : vector<768x256xi1>, vector<768x256xi32>
    %reduce_min3A_529 = arith.constant dense<2147483647> : vector<256xi32>
    %reduce_min3A_530 = vector.multi_reduction <minsi>, %select_n3A_528, %reduce_min3A_529 [0] : vector<768x256xi32> to vector<256xi32>
    %broadcast_in_dim3A_531 = vector.shape_cast %reduce_min3A_530 : vector<256xi32> to vector<1x256xi32>
    %eq3A_532 = vector.broadcast %broadcast_in_dim3A_531 : vector<1x256xi32> to vector<768x256xi32>
    %eq3A_533 = arith.cmpi eq, %iota3A, %eq3A_532 : vector<768x256xi32>
    %jit3A_534 = arith.constant 0xFF800000 : f32
    %broadcast_in_dim3A_535 = vector.broadcast %jit3A_534 : f32 to vector<768x256xf32>
    %select_n3A_536 = arith.select %eq3A_533, %broadcast_in_dim3A_535, %select_n3A_516 : vector<768x256xi1>, vector<768x256xf32>
    %reduce_max3A_537 = arith.constant dense<0xFF800000> : vector<256xf32>
    %reduce_max3A_538 = vector.multi_reduction <maximumf>, %select_n3A_536, %reduce_max3A_537 [0] : vector<768x256xf32> to vector<256xf32>
    %broadcast_in_dim3A_539 = vector.shape_cast %reduce_max3A_538 : vector<256xf32> to vector<1x256xf32>
    %lt3A_540 = vector.broadcast %broadcast_in_dim3A_539 : vector<1x256xf32> to vector<768x256xf32>
    %lt3A_541 = arith.cmpf olt, %get3A_3, %lt3A_540 : vector<768x256xf32>
    %convert_element_type3A_542 = arith.extui %lt3A_541 : vector<768x256xi1> to vector<768x256xi32>
    %add3A_543 = arith.addi %add3A_523, %convert_element_type3A_542 : vector<768x256xi32>
    %lt3A_544 = vector.broadcast %broadcast_in_dim3A_539 : vector<1x256xf32> to vector<768x256xf32>
    %lt3A_545 = arith.cmpf olt, %select_n3A_536, %lt3A_544 : vector<768x256xf32>
    %jit3A_546 = arith.constant 768 : i32
    %broadcast_in_dim3A_547 = vector.broadcast %jit3A_546 : i32 to vector<768x256xi32>
    %select_n3A_548 = arith.select %lt3A_545, %broadcast_in_dim3A_547, %iota3A : vector<768x256xi1>, vector<768x256xi32>
    %reduce_min3A_549 = arith.constant dense<2147483647> : vector<256xi32>
    %reduce_min3A_550 = vector.multi_reduction <minsi>, %select_n3A_548, %reduce_min3A_549 [0] : vector<768x256xi32> to vector<256xi32>
    %broadcast_in_dim3A_551 = vector.shape_cast %reduce_min3A_550 : vector<256xi32> to vector<1x256xi32>
    %eq3A_552 = vector.broadcast %broadcast_in_dim3A_551 : vector<1x256xi32> to vector<768x256xi32>
    %eq3A_553 = arith.cmpi eq, %iota3A, %eq3A_552 : vector<768x256xi32>
    %jit3A_554 = arith.constant 0xFF800000 : f32
    %broadcast_in_dim3A_555 = vector.broadcast %jit3A_554 : f32 to vector<768x256xf32>
    %select_n3A_556 = arith.select %eq3A_553, %broadcast_in_dim3A_555, %select_n3A_536 : vector<768x256xi1>, vector<768x256xf32>
    %reduce_max3A_557 = arith.constant dense<0xFF800000> : vector<256xf32>
    %reduce_max3A_558 = vector.multi_reduction <maximumf>, %select_n3A_556, %reduce_max3A_557 [0] : vector<768x256xf32> to vector<256xf32>
    %broadcast_in_dim3A_559 = vector.shape_cast %reduce_max3A_558 : vector<256xf32> to vector<1x256xf32>
    %lt3A_560 = vector.broadcast %broadcast_in_dim3A_559 : vector<1x256xf32> to vector<768x256xf32>
    %lt3A_561 = arith.cmpf olt, %get3A_3, %lt3A_560 : vector<768x256xf32>
    %convert_element_type3A_562 = arith.extui %lt3A_561 : vector<768x256xi1> to vector<768x256xi32>
    %add3A_563 = arith.addi %add3A_543, %convert_element_type3A_562 : vector<768x256xi32>
    %lt3A_564 = vector.broadcast %broadcast_in_dim3A_559 : vector<1x256xf32> to vector<768x256xf32>
    %lt3A_565 = arith.cmpf olt, %select_n3A_556, %lt3A_564 : vector<768x256xf32>
    %jit3A_566 = arith.constant 768 : i32
    %broadcast_in_dim3A_567 = vector.broadcast %jit3A_566 : i32 to vector<768x256xi32>
    %select_n3A_568 = arith.select %lt3A_565, %broadcast_in_dim3A_567, %iota3A : vector<768x256xi1>, vector<768x256xi32>
    %reduce_min3A_569 = arith.constant dense<2147483647> : vector<256xi32>
    %reduce_min3A_570 = vector.multi_reduction <minsi>, %select_n3A_568, %reduce_min3A_569 [0] : vector<768x256xi32> to vector<256xi32>
    %broadcast_in_dim3A_571 = vector.shape_cast %reduce_min3A_570 : vector<256xi32> to vector<1x256xi32>
    %eq3A_572 = vector.broadcast %broadcast_in_dim3A_571 : vector<1x256xi32> to vector<768x256xi32>
    %eq3A_573 = arith.cmpi eq, %iota3A, %eq3A_572 : vector<768x256xi32>
    %jit3A_574 = arith.constant 0xFF800000 : f32
    %broadcast_in_dim3A_575 = vector.broadcast %jit3A_574 : f32 to vector<768x256xf32>
    %select_n3A_576 = arith.select %eq3A_573, %broadcast_in_dim3A_575, %select_n3A_556 : vector<768x256xi1>, vector<768x256xf32>
    %reduce_max3A_577 = arith.constant dense<0xFF800000> : vector<256xf32>
    %reduce_max3A_578 = vector.multi_reduction <maximumf>, %select_n3A_576, %reduce_max3A_577 [0] : vector<768x256xf32> to vector<256xf32>
    %broadcast_in_dim3A_579 = vector.shape_cast %reduce_max3A_578 : vector<256xf32> to vector<1x256xf32>
    %lt3A_580 = vector.broadcast %broadcast_in_dim3A_579 : vector<1x256xf32> to vector<768x256xf32>
    %lt3A_581 = arith.cmpf olt, %get3A_3, %lt3A_580 : vector<768x256xf32>
    %convert_element_type3A_582 = arith.extui %lt3A_581 : vector<768x256xi1> to vector<768x256xi32>
    %add3A_583 = arith.addi %add3A_563, %convert_element_type3A_582 : vector<768x256xi32>
    %lt3A_584 = vector.broadcast %broadcast_in_dim3A_579 : vector<1x256xf32> to vector<768x256xf32>
    %lt3A_585 = arith.cmpf olt, %select_n3A_576, %lt3A_584 : vector<768x256xf32>
    %jit3A_586 = arith.constant 768 : i32
    %broadcast_in_dim3A_587 = vector.broadcast %jit3A_586 : i32 to vector<768x256xi32>
    %select_n3A_588 = arith.select %lt3A_585, %broadcast_in_dim3A_587, %iota3A : vector<768x256xi1>, vector<768x256xi32>
    %reduce_min3A_589 = arith.constant dense<2147483647> : vector<256xi32>
    %reduce_min3A_590 = vector.multi_reduction <minsi>, %select_n3A_588, %reduce_min3A_589 [0] : vector<768x256xi32> to vector<256xi32>
    %broadcast_in_dim3A_591 = vector.shape_cast %reduce_min3A_590 : vector<256xi32> to vector<1x256xi32>
    %eq3A_592 = vector.broadcast %broadcast_in_dim3A_591 : vector<1x256xi32> to vector<768x256xi32>
    %eq3A_593 = arith.cmpi eq, %iota3A, %eq3A_592 : vector<768x256xi32>
    %jit3A_594 = arith.constant 0xFF800000 : f32
    %broadcast_in_dim3A_595 = vector.broadcast %jit3A_594 : f32 to vector<768x256xf32>
    %select_n3A_596 = arith.select %eq3A_593, %broadcast_in_dim3A_595, %select_n3A_576 : vector<768x256xi1>, vector<768x256xf32>
    %reduce_max3A_597 = arith.constant dense<0xFF800000> : vector<256xf32>
    %reduce_max3A_598 = vector.multi_reduction <maximumf>, %select_n3A_596, %reduce_max3A_597 [0] : vector<768x256xf32> to vector<256xf32>
    %broadcast_in_dim3A_599 = vector.shape_cast %reduce_max3A_598 : vector<256xf32> to vector<1x256xf32>
    %lt3A_600 = vector.broadcast %broadcast_in_dim3A_599 : vector<1x256xf32> to vector<768x256xf32>
    %lt3A_601 = arith.cmpf olt, %get3A_3, %lt3A_600 : vector<768x256xf32>
    %convert_element_type3A_602 = arith.extui %lt3A_601 : vector<768x256xi1> to vector<768x256xi32>
    %add3A_603 = arith.addi %add3A_583, %convert_element_type3A_602 : vector<768x256xi32>
    %lt3A_604 = vector.broadcast %broadcast_in_dim3A_599 : vector<1x256xf32> to vector<768x256xf32>
    %lt3A_605 = arith.cmpf olt, %select_n3A_596, %lt3A_604 : vector<768x256xf32>
    %jit3A_606 = arith.constant 768 : i32
    %broadcast_in_dim3A_607 = vector.broadcast %jit3A_606 : i32 to vector<768x256xi32>
    %select_n3A_608 = arith.select %lt3A_605, %broadcast_in_dim3A_607, %iota3A : vector<768x256xi1>, vector<768x256xi32>
    %reduce_min3A_609 = arith.constant dense<2147483647> : vector<256xi32>
    %reduce_min3A_610 = vector.multi_reduction <minsi>, %select_n3A_608, %reduce_min3A_609 [0] : vector<768x256xi32> to vector<256xi32>
    %broadcast_in_dim3A_611 = vector.shape_cast %reduce_min3A_610 : vector<256xi32> to vector<1x256xi32>
    %eq3A_612 = vector.broadcast %broadcast_in_dim3A_611 : vector<1x256xi32> to vector<768x256xi32>
    %eq3A_613 = arith.cmpi eq, %iota3A, %eq3A_612 : vector<768x256xi32>
    %jit3A_614 = arith.constant 0xFF800000 : f32
    %broadcast_in_dim3A_615 = vector.broadcast %jit3A_614 : f32 to vector<768x256xf32>
    %select_n3A_616 = arith.select %eq3A_613, %broadcast_in_dim3A_615, %select_n3A_596 : vector<768x256xi1>, vector<768x256xf32>
    %reduce_max3A_617 = arith.constant dense<0xFF800000> : vector<256xf32>
    %reduce_max3A_618 = vector.multi_reduction <maximumf>, %select_n3A_616, %reduce_max3A_617 [0] : vector<768x256xf32> to vector<256xf32>
    %broadcast_in_dim3A_619 = vector.shape_cast %reduce_max3A_618 : vector<256xf32> to vector<1x256xf32>
    %lt3A_620 = vector.broadcast %broadcast_in_dim3A_619 : vector<1x256xf32> to vector<768x256xf32>
    %lt3A_621 = arith.cmpf olt, %get3A_3, %lt3A_620 : vector<768x256xf32>
    %convert_element_type3A_622 = arith.extui %lt3A_621 : vector<768x256xi1> to vector<768x256xi32>
    %add3A_623 = arith.addi %add3A_603, %convert_element_type3A_622 : vector<768x256xi32>
    %swap3A = arith.constant 0 : index
    %swap3A_624 = arith.constant 0 : index
    %swap3A_625 = arith.constant 0 : index
    %swap3A_626 = vector.load %arg3[%swap3A, %swap3A_624, %swap3A_625] : memref<1x768x256xi32, #tpu.memory_space<vmem>>, vector<1x768x256xi32>
    %swap3A_627 = vector.shape_cast %swap3A_626 : vector<1x768x256xi32> to vector<768x256xi32>
    %swap3A_628 = vector.shape_cast %add3A_623 : vector<768x256xi32> to vector<1x768x256xi32>
    tpu.vector_store %arg3[%swap3A, %swap3A_624, %swap3A_625], %swap3A_628 {strides = array<i32>} : memref<1x768x256xi32, #tpu.memory_space<vmem>>, vector<1x768x256xi32>,
    return
  }
  func.func @transform_0(%arg0: i32, %arg1: i32) -> (i32, i32, i32) {
    %c0_i32 = arith.constant 0 : i32
    %c0_i32_0 = arith.constant 0 : i32
    return %arg0, %c0_i32, %arg1 : i32, i32, i32
  }
  func.func @transform_1(%arg0: i32, %arg1: i32) -> (i32, i32, i32) {
    %c0_i32 = arith.constant 0 : i32
    %c0_i32_0 = arith.constant 0 : i32
    return %arg0, %c0_i32, %arg1 : i32, i32, i32
  }
}

</mosaic_0001>

<sc_bundles>
// kernel: kernel.4.cloned.1.call-start
scs
__scs_entry_jumppad:
0x0: {  	(pc) =	sbr.rel $0x88, $3  }
0x1: {  	(tag) =	ssettag $0x0;
	lr =	simm.s32 $0x1  }
0x2: {  	[smem:$0x3F9F] =	sst lr;
	_ =	strace $0xD0000000  }
0x3: {  	_ = 	snop  }
0x4: {  	_ = 	snop  }
0x5: {  	_ = 	snop  }
0x6: {  	_ = 	snop  }
0x7: {  	_ = 	snop  }
__scs_overlays_trampoline_lowered:
0x8: {  	[smem:$0x3FAE] =	sst s0  }
0x9: {  	[smem:$0x3FAF] =	sst s1  }
0xa: {  	[smem:$0x3FB0] =	sst s2  }
0xb: {  	[smem:$0x3FB1] =	sst s3  }
0xc: {  	[smem:$0x3FB2] =	sst s4  }
0xd: {  	[smem:$0x3FB3] =	sst s5  }
0xe: {  	[smem:$0x3FB4] =	sst s6  }
0xf: {  	[smem:$0x3FB5] =	sst s7  }
0x10: {  	[smem:$0x3FB6] =	sst s8  }
0x11: {  	[smem:$0x3FB7] =	sst s9;
	s0 =	simm.s32 @!p0 $0x0  }
0x12: {  	s1 =	sld [smem:$0x3F9D];
	s0 =	simm.s32 @p0 $0x1  }
0x13: {  	[smem:$0x3FB8] =	sst s0;
	s0 =	simm.s32 @!p1 $0x0  }
0x14: {  	s2 =	sld [smem:$0x3F9C];
	s0 =	simm.s32 @p1 $0x1  }
0x15: {  	[smem:$0x3FB9] =	sst s0;
	s0 =	simm.s32 @!p2 $0x0  }
0x16: {  	s3 =	sld [smem:$0x3FDB];
	s0 =	simm.s32 @p2 $0x1  }
0x17: {  	s4 =	simm.s32 $0x1BF5;
	[smem:$0x3FBB] =	sst s0  }
0x18: {  	s0 =	sld [smem:$0x3F9E];
	_ =	swait.ge [sflag:s4], $0x0  }
0x19: {  	s7 =	sld [smem:$0x3F9F]  }
0x1a: {  	s8 =	sadd.s32 $0xFFFFE003, lr  }
0x1b: {  	s9 =	sadd.s32 $0xFFFFFEF7, lr;
	s5 =	simm.s32 $0xFFFFFFFF;
	p2 =	slt.u32 s8, $0xFFFFF086  }
0x1c: {  	p1 =	slt.u32 s9, $0xF7A;
	s5 =	simm.s32 @!p2 $0x0  }
0x1d: {  	s5 =	simm.s32 @p1 $0x1;
	p0 =	seq.s32 s7, s2  }
0x1e: {  	s7 =	smul.u32 @!p0 $0xF7A, s2;
	p2 =	seq.s32 @!p0 s5, $0x0  }
0x1f: {  	s9 =	smul.u32 $0xF7A, s1;
	s8 =	simm.s32 @!p0 $0x1BF5;
	p2 =	por !p2, p0  }
0x20: {  	[sflag:s8] =	ssyncset.s32 @!p0 $0xFFFFF086;
	s6 =	sadd.s32 @!p0 s3, s7;
	s7 =	simm.s32 @!p0 $0x108  }
0x21: {  	s3 =	sadd.s32 s3, s9;
	s6 =	sadd.s32 @!p0 $0x88, s6;
	s7 =	simm.s32 @p2 $0x1082  }
0x22: {  	[simem:s7], [sflag:s8] =	dma.local @!p0 [hbm:s6], $0xF7A  }
0x23: {  	s9 =	sor.u32 $0xD0000000, s2;
	s6 =	simm.s32 $0x108;
	_ =	swait.ge @!p0 [sflag:s8], $0x0  }
0x24: {  	s3 =	sadd.s32 $0x88, s3;
	s6 =	simm.s32 @!p1 $0x1082;
	[sflag:s4] =	ssyncset.s32 $0xFFFFF086  }
0x25: {  	[simem:s6], [sflag:s4] =	dma.local [hbm:s3], $0xF7A  }
0x26: {  	[smem:$0x3F9F] =	sst s1;
	(tag) =	ssettag s2;
	_ =	strace s9  }
0x27: {  	s1 =	sld [smem:$0x3FAF]  }
0x28: {  	s2 =	sld [smem:$0x3FB0]  }
0x29: {  	s4 =	sld [smem:$0x3FB2]  }
0x2a: {  	p0 =	seq.s32 s5, $0x0;
	s5 =	sld [smem:$0x3FB3]  }
0x2b: {  	s6 =	sld [smem:$0x3FB4]  }
0x2c: {  	s7 =	sld [smem:$0x3FB5]  }
0x2d: {  	s3 =	simm.s32 $0x108;
	s8 =	sld [smem:$0x3FB6]  }
0x2e: {  	s3 =	simm.s32 @!p0 $0x1082;
	s9 =	sld [smem:$0x3FB7]  }
0x2f: {  	lr =	sadd.s32 s0, s3;
	s0 =	sld [smem:$0x3FAE]  }
0x30: {  	s3 =	sld [smem:$0x3FB1]  }
0x31: {  	[smem:$0x3FBA] =	sst s10  }
0x32: {  	s10 =	sld [smem:$0x3FB8];
	_ =	sdelay $0x3  }
0x33: {  	p0 =	seq.s32 s10, $0x1;
	s10 =	sld [smem:$0x3FBA];
	_ =	sdelay $0x3  }
0x34: {  	[smem:$0x3FBA] =	sst s10  }
0x35: {  	s10 =	sld [smem:$0x3FB9];
	_ =	sdelay $0x3  }
0x36: {  	p1 =	seq.s32 s10, $0x1;
	s10 =	sld [smem:$0x3FBA];
	_ =	sdelay $0x3  }
0x37: {  	[smem:$0x3FBA] =	sst s10  }
0x38: {  	s10 =	sld [smem:$0x3FBB]  }
0x39: {  	_ = 	snop;
	(pc) =	sbr.ind lr, $3  }
0x3a: {  	_ = 	snop  }
0x3b: {  	_ = 	snop  }
0x3c: {  	p2 =	seq.s32 s10, $0x1;
	s10 =	sld [smem:$0x3FBA]  }
0x3d: {  	_ =	shalt  }
0x3e: {  	_ =	shalt  }
0x3f: {  	_ =	shalt  }
0x40: {  	_ =	shalt  }
0x41: {  	_ =	shalt  }
0x42: {  	_ =	shalt  }
0x43: {  	_ =	shalt  }
0x44: {  	_ =	shalt  }
0x45: {  	_ =	shalt  }
0x46: {  	_ =	shalt  }
0x47: {  	_ =	shalt  }
0x48: {  	_ =	shalt  }
0x49: {  	_ =	shalt  }
0x4a: {  	_ =	shalt  }
0x4b: {  	_ =	shalt  }
0x4c: {  	_ =	shalt  }
0x4d: {  	_ =	shalt  }
0x4e: {  	_ =	shalt  }
0x4f: {  	_ =	shalt  }
0x50: {  	_ =	shalt  }
0x51: {  	_ =	shalt  }
0x52: {  	_ =	shalt  }
0x53: {  	_ =	shalt  }
0x54: {  	_ =	shalt  }
0x55: {  	_ =	shalt  }
0x56: {  	_ =	shalt  }
0x57: {  	_ =	shalt  }
0x58: {  	_ =	shalt  }
0x59: {  	_ =	shalt  }
0x5a: {  	_ =	shalt  }
0x5b: {  	_ =	shalt  }
0x5c: {  	_ =	shalt  }
0x5d: {  	_ =	shalt  }
0x5e: {  	_ =	shalt  }
0x5f: {  	_ =	shalt  }
0x60: {  	_ =	shalt  }
0x61: {  	_ =	shalt  }
0x62: {  	_ =	shalt  }
0x63: {  	_ =	shalt  }
0x64: {  	_ =	shalt  }
0x65: {  	_ =	shalt  }
0x66: {  	_ =	shalt  }
0x67: {  	_ =	shalt  }
0x68: {  	_ =	shalt  }
0x69: {  	_ =	shalt  }
0x6a: {  	_ =	shalt  }
0x6b: {  	_ =	shalt  }
0x6c: {  	_ =	shalt  }
0x6d: {  	_ =	shalt  }
0x6e: {  	_ =	shalt  }
0x6f: {  	_ =	shalt  }
0x70: {  	_ =	shalt  }
0x71: {  	_ =	shalt  }
0x72: {  	_ =	shalt  }
0x73: {  	_ =	shalt  }
0x74: {  	_ =	shalt  }
0x75: {  	_ =	shalt  }
0x76: {  	_ =	shalt  }
0x77: {  	_ =	shalt  }
0x78: {  	_ =	shalt  }
0x79: {  	_ =	shalt  }
0x7a: {  	_ =	shalt  }
0x7b: {  	_ =	shalt  }
0x7c: {  	_ =	shalt  }
0x7d: {  	_ =	shalt  }
0x7e: {  	_ =	shalt  }
0x7f: {  	_ =	shalt  }
0x80: {  	_ =	shalt  }
0x81: {  	_ =	shalt  }
0x82: {  	_ =	shalt  }
0x83: {  	_ =	shalt  }
0x84: {  	_ =	shalt  }
0x85: {  	_ =	shalt  }
0x86: {  	_ =	shalt  }
0x87: {  	_ =	shalt  }
.Lfunc_end0:
.L_simem_size_0:
called_computation_lowered:
.L_overlay_start_0:
0x88: {  	s2 =	sld [smem:$0x3FD9]  }
0x89: {  	s3 =	sld [smem:$0x3FFE];
	_ =	sdelay $0x1  }
0x8a: {  	s1 =	srdreg.scid  }
0x8b: {  	s0 =	sand.u32 $0x1, s1  }
0x8c: {  	s17 =	sshll.u32 s0, $0xA;
	s2 =	sadd.s32 s3, s2  }
0x8d: {  	s2 =	sadd.s32 s2, s17  }
0x8e: {  	[smem:$0x3FC6] =	sst s2  }
0x8f: {  	_ = 	snop  }
0x90: {  	s2 =	sld [smem:$0x3FD0];
	(tm) =	ssettm $0x1  }
0x91: {  	s18 =	sld [smem:$0x3FFB];
	_ =	sdelay $0x3  }
0x92: {  	_ =	strace s18  }
0x93: {  	s3 =	sld [smem:$0x3FFC];
	_ =	sdelay $0x3  }
0x94: {  	_ =	strace s3  }
0x95: {  	s3 =	sld [smem:$0x3FFD];
	_ =	sdelay $0x3  }
0x96: {  	_ =	strace s3  }
0x97: {  	_ =	strace $0x8FFFFFFF  }
0x98: {  	s19 =	sld [smem:$0x3FDB];
	_ =	sdelay $0x1  }
0x99: {  	s4 =	simm.s32 $_scs_section_size  }
0x9a: {  	s5 =	simm.s32 $_size__tile_overlayer_lowered;
	s6 =	simm.s32 $_tile_overlayer_lowered  }
0x9b: {  	s22 =	simm.s32 $0x1BFF;
	s21 =	sshll.u32 s6, $0x1;
	s3 =	sadd.s32 s4, s19  }
0x9c: {  	s7 =	simm.s32 $0x0;
	s20 =	sshll.u32 s5, $0x1;
	s5 =	sadd.s32 s21, s3  }
0x9d: {  	[timem:s7], [sflag:s22] =	dma.local [hbm:s5], s20  }
0x9e: {  	_ =	swait.ge [sflag:s22], s20  }
0x9f: {  	s4 =	ssub.s32 $0x0, s20;
	[sflag:s22] =	ssyncset.done $0x0  }
0xa0: {  	[sflag:s22] =	ssyncadd.s32 s4;
	_ =	sdelay $0x1  }
0xa1: {  	s23 =	simm.s32 $0x1B8B  }
0xa2: {  	_ =	swait.ge [sflag:s23], $0x1  }
0xa3: {  	[sflag:s23] =	ssyncset.done $0x0  }
0xa4: {  	s25 =	simm.s32 $0x1B8E;
	s24 =	sld [smem:$0x3FFE];
	[sflag:s23] =	ssyncadd.s32 $0xFFFFFFFF  }
0xa5: {  	s26 =	simm.s32 $execute0_lowered;
	[smem:$0x3FD2] =	sst s25  }
0xa6: {  	s5 =	sshll.u32 s26, $0x1;
	_ =	strace $0x80000046;
	[dreg:$0x1] =	wrdreg $0xFFFFFFFF  }
0xa7: {  	s28 =	simm.s32 $_size_execute0_lowered;
	s3 =	sadd.s32 s3, s5;
	[dreg:$0x0] =	wrdreg $0x0  }
0xa8: {  	s5 =	sshll.u32 s28, $0x1;
	[dreg:$0x2] =	wrdreg s3  }
0xa9: {  	[dreg:$0x3] =	wrdreg s5  }
0xaa: {  	[dreg:$0x4] =	wrdreg $0xC0  }
0xab: {  	_ =	task [dreg:s7], $0x5FFFF  }
0xac: {  	[dreg:$0x1] =	wrdreg $0xFFFFFFFF  }
0xad: {  	[dreg:$0x0] =	wrdreg $0x60  }
0xae: {  	[dreg:$0x2] =	wrdreg s24  }
0xaf: {  	[dreg:$0x3] =	wrdreg s2  }
0xb0: {  	[dreg:$0x4] =	wrdreg $0x9  }
0xb1: {  	_ =	task.clear_ibuf [dreg:s7], $0x5FFFF;
	_ =	strace $0x90000046  }
0xb2: {  	s29 =	simm.s32 $0x9;
	_ =	strace $0x80000048  }
0xb3: {  	_ =	swait.ge [sflag:s29], $0x1  }
0xb4: {  	[sflag:s29] =	ssyncadd.s32 $0xFFFFFFFF  }
0xb5: {  	_ =	strace $0x90000048  }
0xb6: {  	_ =	sfence  }
0xb7: {  	s30 =	sld [smem:$0x0];
	_ =	sdelay $0x2  }
0xb8: {  	s31 =	sshll.u32 s1, $0xD;
	s1 =	sshrl.u32 s1, $0x2  }
0xb9: {  	s3 =	sand.u32 $0x4000, s31;
	s1 =	sadd.s32 s1, s30  }
0xba: {  	s0 =	sor.u32 s3, s0;
	s1 =	sshll.u32 s1, $0x11  }
0xbb: {  	s0 =	sor.u32 s1, s0  }
0xbc: {  	s0 =	sadd.s32 $0x8F2B, s0  }
0xbd: {  	[sflag:s0] =	ssyncadd.remote.s32 $0x1  }
0xbe: {  	_ =	sfence.sel $0xFFFF  }
0xbf: {  	[dreg:$0x0] =	wrdreg $0xFFFFFFFF;
	(pc) =	sbr.abs _section_cstart, $3  }
0xc0: {  	[dreg:$0x1] =	wrdreg $0xFFFFFFFF  }
0xc1: {  	_ =	task.clear_ibuf [dreg:s7], $0x2FFFF;
	_ =	strace $0x9FFFFFFF  }
0xc2: {  	(tm) =	ssettm $0x7FFFFFFF  }
0xc3: {  	_ =	shalt  }
tec
execute0_lowered:
.L_overlay_start_1:
0x0: {  	(tag) =	ssettag $0x1  }
0x1: {  	s5 =	rddreg [dreg:$0x0]  }
0x2: {  	s1 =	rddreg [dreg:$0x1]  }
0x3: {  	s0 =	rddreg [dreg:$0x2];
	s2 =	simm.s32 $0x0;
	s3 =	srdreg.scid  }
0x4: {  	s10 =	simm.s32 $0x8300;
	s11 =	simm.s32 $0x0;
	s15 =	simm.s32 $0x0  }
0x5: {  	[smem:$0x7FF] =	sst s2;
	s6 =	sand.u32 $0x1, s3;
	s3 =	stileid.u32  }
0x6: {  	s4 =	sadd.s32 $0x1200, s5;
	s5 =	sadd.s32 $0x400, s5;
	s7 =	ssub.s32 $0x2, s6  }
0x7: {  	_ =	strace $0x80000047;
	s9 =	sshll.u32 s3, $0x1;
	s8 =	sshrl.u32 s7, $0x1  }
0x8: {  	s6 =	sor.u32 s6, s9;
	s9 =	simm.s32 $0x6300;
	s7 =	ssub.s32 s7, s8  }
0x9: {  	s6 =	smul.u32 $0xC0, s6;
	s8 =	simm.s32 $0x1;
	s7 =	smax.u32 s7, $0x1  }
.LBB2_1:
0xa: {  	[tilespmem:s2], [sflag:$0x1] =	stream.linear.gather [hbm4b:s5+s2], $0x6300, $0x38;
	[tilespmem:$0xA300] =	vst v63  }
0xb: {  	_ =	swait.ge [sflag:s8], $0x6300  }
0xc: {  	[sflag:s8] =	ssyncset.done $0x0  }
0xd: {  	s12 =	simm.s32 $0x0;
	[sflag:s8] =	ssyncadd.s32 $0xFFFF9D00  }
.LBB2_2:
0xe: {  	s13 =	sshll.u32 s12, $0x3  }
0xf: {  	s14 =	sadd.s32 s6, s13  }
0x10: {  	s13 =	sshll.u32 s14, $0x7  }
0x11: {  	s16 =	sadd.s32 s4, s13  }
0x12: {  	[tilespmem:s9], [sflag:$0x1] =	stream.linear.gather [hbm4b:s16+s15], $0x2000, $0x38;
	[tilespmem:$0xA300] =	vst v63  }
0x13: {  	_ =	swait.ge [sflag:s8], $0x2000  }
0x14: {  	[sflag:s8] =	ssyncset.done $0x0  }
0x15: {  	s16 =	simm.s32 $0x0;
	[sflag:s8] =	ssyncadd.s32 $0xFFFFE000  }
.LBB2_3:
0x16: {  	s18 =	sor.u32 s14, s16  }
0x17: {  	s17 =	smulhi.u32 $0xAAAAAAAB, s18  }
0x18: {  	s19 =	sand.u32 $0x38, s15  }
0x19: {  	s19 =	sadd.s32 s16, s19;
	s17 =	sshrl.u32 s17, $0x9  }
0x1a: {  	s20 =	sand.u32 $0x70, s15;
	s19 =	sshll.u32 s19, $0x7;
	s21 =	smul.u32 $0x300, s17  }
0x1b: {  	s17 =	sor.u32 s20, s19  }
0x1c: {  	v1 =	vld [tilespmem:s17+$0x6300];
	s18 =	ssub.s32 s18, s21  }
0x1d: {  	s18 =	smul.u32 $0x21, s18  }
0x1e: {  	s29 =	simm.s32 $0x1  }
0x1f: {  	v0 =	vmov s18;
	s18 =	sand.u32 $0x38, s29  }
0x20: {  	s19 =	simm.s32 $0x10;
	s18 =	sadd.s32 s16, s18  }
0x21: {  	s30 =	sand.u32 $0x70, s19;
	v2 =	vadd.s32 v0, v1;
	s18 =	sshll.u32 s18, $0x7  }
0x22: {  	s18 =	sor.u32 s30, s18  }
0x23: {  	v1 =	vld [tilespmem:s18+$0x6300];
	_ =	sdelay $0x1  }
0x24: {  	s31 =	simm.s32 $0x2  }
0x25: {  	s20 =	simm.s32 $0x3;
	s21 =	sand.u32 $0x38, s31;
	v2 =	vld.idx.msk [tilespmem:v2+s2+$0x0], $0xffff  }
.LBB2_4:
0x26: {  	p0 =	sne.s32 s20, $0x3F;
	s21 =	sadd.s32 s16, s21;
	s19 =	sadd.s32 $0x10, s19  }
0x27: {  	s22 =	sand.u32 $0x70, s19;
	s21 =	sshll.u32 s21, $0x7;
	v3 =	vadd.s32 v0, v1  }
.Ltmp0:
0x28: {  	s21 =	sor.u32 s22, s21;
	(pc) =	sbr.rel @p0 .LBB2_4-.Ltmp0, $3  }
0x29: {  	v1 =	vld [tilespmem:s21+$0x6300];
	_ =	sdelay $0x1  }
0x2a: {  	[tilespmem:s17+$0x8300] =	vst v2;
	s17 =	smov.u32 s18;
	s18 =	smov.u32 s21  }
0x2b: {  	s21 =	sand.u32 $0x38, s20;
	s20 =	sadd.s32 $0x1, s20;
	v2 =	vld.idx.msk [tilespmem:v3+s2+$0x0], $0xffff  }
0x2c: {  	s20 =	sadd.s32 s16, s21;
	s19 =	sadd.s32 $0x10, s19  }
0x2d: {  	s19 =	sand.u32 $0x70, s19;
	s20 =	sshll.u32 s20, $0x7  }
0x2e: {  	v1 =	vadd.s32 v0, v1;
	s19 =	sor.u32 s19, s20  }
0x2f: {  	v3 =	vld [tilespmem:s19+$0x6300];
	_ =	sdelay $0x2  }
0x30: {  	[tilespmem:s17+$0x8300] =	vst v2  }
0x31: {  	v1 =	vld.idx.msk [tilespmem:v1+s2+$0x0], $0xffff  }
0x32: {  	v63 =	vadd.s32 v0, v3;
	_ =	sdelay $0x3  }
0x33: {  	s16 =	sadd.s32 $0x1, s16;
	[tilespmem:s18+$0x8300] =	vst v1  }
0x34: {  	p0 =	sne.s32 s16, $0x8;
	v0 =	vld.idx.msk [tilespmem:v63+s2+$0x0], $0xffff  }
.Ltmp1:
0x35: {  	_ = 	snop;
	(pc) =	sbr.rel @p0 .LBB2_3-.Ltmp1, $2  }
0x36: {  	_ =	sdelay $0x2  }
0x37: {  	[tilespmem:s19+$0x8300] =	vst v0  }
0x38: {  	s12 =	sadd.s32 $0x1, s12  }
0x39: {  	p0 =	sne.s32 s12, $0x18  }
.Ltmp2:
0x3a: {  	s13 =	sadd.s32 s1, s13;
	(pc) =	sbr.rel @p0 .LBB2_2-.Ltmp2, $4  }
0x3b: {  	[hbm4b:s13+s2] =	stream.linear.scatter [tilespmem:s10], [sflag:$0x1], $0x2000, $0x38;
	[tilespmem:$0xA300] =	vst v63  }
0x3c: {  	_ =	swait.ge [sflag:s8], $0x2000  }
0x3d: {  	[sflag:s8] =	ssyncset.done $0x0  }
0x3e: {  	[sflag:s8] =	ssyncadd.s32 $0xFFFFE000  }
0x3f: {  	s11 =	sadd.s32 $0x1, s11  }
0x40: {  	p0 =	sne.s32 s11, s7  }
.Ltmp3:
0x41: {  	_ = 	snop;
	(pc) =	sbr.rel @p0 .LBB2_1-.Ltmp3, $1  }
0x42: {  	_ =	sdelay $0x3  }
0x43: {  	_ =	sfence.sel $0x180000  }
0x44: {  	[bflag:$0x0] =	sbarrier.arrive $0xFFFF  }
0x45: {  	p0 =	sne.s32 s3, $0x0;
	_ =	strace $0x90000047  }
0x46: {  	s0 =	sadd.s32 @!p0 $0x100000, s0;
	[bflag:$0x2] =	sbarrier.arrive $0xFFFF  }
0x47: {  	[sflag:s0] =	ssyncadd.tile.s32 @!p0 $0x1;
	_ =	shalt  }
.Lfunc_end2:
_tile_overlayer_lowered:
.L_overlay_start_2:
0x48: {  	(tag) =	ssettag $0x2  }
0x49: {  	s0 =	rddreg [dreg:$0x0];
	s2 =	stileid.u32  }
0x4a: {  	s1 =	rddreg [dreg:$0x1];
	p0 =	sne.s32 s2, $0x0  }
0x4b: {  	s3 =	rddreg [dreg:$0x2];
	[bflag:$0x3] =	sbarrier.arrive $0xFFFF;
	s2 =	simm.s32 @!p0 $0x1C01  }
0x4c: {  	[timem:s3], [sflag:s2] =	dma.local @!p0 [hbm:s0], s1  }
0x4d: {  	s0 =	simm.s32 @!p0 $0x1  }
0x4e: {  	_ =	swait.ge @!p0 [sflag:s0], s1  }
0x4f: {  	s1 =	ssub.s32 @!p0 $0x0, s1;
	[sflag:s0] =	ssyncset.done @!p0 $0x0  }
0x50: {  	[sflag:s0] =	ssyncadd.s32 @!p0 s1  }
0x51: {  	[bflag:$0x3] =	sbarrier.arrive $0xFFFF  }
0x52: {  	_ =	shalt  }

</sc_bundles>
